<compile_context>
chip_gen: v7x
topology: tpu7x:2x2x1
jax: 0.10.2.dev20260603
libtpu: 0.0.44.dev20260713+nightly
codegen_flags: <defaults>
</compile_context>

<pallas_src>
import functools

import jax
import jax.numpy as jnp
from jax import lax
from jax.experimental import pallas as pl
from jax.experimental.pallas import tpu as pltpu
from jax.experimental.pallas import tpu_sc as plsc

_BLOCK = 6144
_CHAINS = 3
_SUB = _BLOCK // _CHAINS

_NC = 2
_NS = 16
_NW = _NC * _NS
_GCHUNK = 128


def _argmin_fold(s2, rnorm, en, k):
    iota = lax.broadcasted_iota(jnp.int32, s2.shape, 1)
    w = k // 2
    a = (rnorm + en[:, :w]) - s2[:, :w]
    b = (rnorm + en[:, w:]) - s2[:, w:]
    take_b = b < a
    v = jnp.minimum(a, b)
    i = jnp.where(take_b, iota[:, w:], iota[:, :w])
    while w > 128:
        w //= 2
        a, b = v[:, :w], v[:, w:]
        ia, ib = i[:, :w], i[:, w:]
        take_b = b < a
        v = jnp.minimum(a, b)
        i = jnp.where(take_b, ib, ia)
    m = jnp.min(v, axis=1, keepdims=True)
    return jnp.min(jnp.where(v == m, i, k), axis=1)


def _bodyA(z_ref, rn_ref, e0_ref, en0_ref, i0_ref):
    k = e0_ref.shape[0]
    for h in range(_CHAINS):
        sl = pl.ds(h * _SUB, _SUB)
        z = z_ref[sl, :]
        z2 = z + z
        s2 = lax.dot_general(z2, e0_ref[...], (((1,), (1,)), ((), ())),
                             preferred_element_type=jnp.float32)
        idx0 = _argmin_fold(s2, rn_ref[sl, :], en0_ref[...], k)
        i0_ref[sl, :] = idx0[:, None]


def _bodyC(z_ref, q0_ref, q1_ref, q_ref, l0_ref, l1_ref):
    d = z_ref.shape[1]
    z = z_ref[...]
    q0 = q0_ref[:, :d]
    q1 = q1_ref[:, :d]
    t0 = q0 - z
    qs0 = z + t0
    r1 = z - qs0
    t1 = q1 - r1
    qs1 = r1 + t1
    q_ref[...] = qs0 + qs1

    @pl.when(pl.program_id(0) == 0)
    def _():
        l0_ref[...] = jnp.zeros((1, 1), jnp.float32)
        l1_ref[...] = jnp.zeros((1, 1), jnp.float32)

    l0_ref[...] += jnp.sum(t0 * t0).reshape(1, 1)
    l1_ref[...] += jnp.sum(t1 * t1).reshape(1, 1)


def _sc_gather(table, idx3):
    _, nch, width = idx3.shape
    n = _NW * nch * width
    d = table.shape[1]
    per_w = nch * width
    mesh = plsc.VectorSubcoreMesh(core_axis_name="c", subcore_axis_name="s")

    @functools.partial(
        pl.kernel, mesh=mesh,
        out_type=jax.ShapeDtypeStruct((n, d), jnp.float32),
        scratch_types=[
            pltpu.VMEM((nch, width), jnp.int32),
            pltpu.VMEM((width, d), jnp.float32),
            pltpu.VMEM((width, d), jnp.float32),
            pltpu.SemaphoreType.DMA,
            pltpu.SemaphoreType.DMA,
        ],
    )
    def k(table_hbm, idx_hbm, out_hbm, idx_v, rows0, rows1, sem0, sem1):
        wid = lax.axis_index("s") * _NC + lax.axis_index("c")
        obase = wid * per_w
        pltpu.sync_copy(idx_hbm.at[wid], idx_v)
        bufs = (rows0, rows1)
        sems = (sem0, sem1)
        cps = [None, None]
        for c in range(nch + 1):
            if c < nch:
                cps[c & 1] = pltpu.async_copy(
                    table_hbm.at[idx_v.at[c]], bufs[c & 1], sems[c & 1])
            if c >= 1:
                p = (c - 1) & 1
                cps[p].wait()
                pltpu.sync_copy(
                    bufs[p], out_hbm.at[pl.ds(obase + (c - 1) * width, width)])

    return k(table, idx3)


def kernel(z_flat, codebook0, codebook1):
    n, d = z_flat.shape
    k = codebook0.shape[0]
    rn = jnp.sum(z_flat ** 2, axis=1, keepdims=True)
    en0 = jnp.sum(codebook0 ** 2, axis=1).reshape(1, k)
    en1 = jnp.sum(codebook1 ** 2, axis=1).reshape(1, k)

    row = lambda i: (i, 0)
    rep = lambda i: (0, 0)
    grid = (n // _BLOCK,)

    pad = jnp.zeros((k, 128 - d), jnp.float32)
    table0 = jnp.concatenate([codebook0, pad], axis=1)
    table1 = jnp.concatenate([codebook1, pad], axis=1)

    def stage_argmin(x_h, xn_h, cb, en):
        nh = x_h.shape[0]
        return pl.pallas_call(
            _bodyA,
            grid=(nh // _BLOCK,),
            in_specs=[
                pl.BlockSpec((_BLOCK, d), row),
                pl.BlockSpec((_BLOCK, 1), row),
                pl.BlockSpec((k, d), rep),
                pl.BlockSpec((1, k), rep),
            ],
            out_specs=pl.BlockSpec((_BLOCK, 1), row),
            out_shape=jax.ShapeDtypeStruct((nh, 1), jnp.int32),
        )(x_h, xn_h, cb, en)

    def stage_c(z_h, q0_h, q1_h):
        nh = z_h.shape[0]
        return pl.pallas_call(
            _bodyC,
            grid=(nh // _BLOCK,),
            in_specs=[
                pl.BlockSpec((_BLOCK, d), row),
                pl.BlockSpec((_BLOCK, 128), row),
                pl.BlockSpec((_BLOCK, 128), row),
            ],
            out_specs=[
                pl.BlockSpec((_BLOCK, d), row),
                pl.BlockSpec((1, 1), rep),
                pl.BlockSpec((1, 1), rep),
            ],
            out_shape=[
                jax.ShapeDtypeStruct((nh, d), jnp.float32),
                jax.ShapeDtypeStruct((1, 1), jnp.float32),
                jax.ShapeDtypeStruct((1, 1), jnp.float32),
            ],
        )(z_h, q0_h, q1_h)

    def gather(table, i_h):
        nh = i_h.shape[0]
        return _sc_gather(table, i_h.reshape(_NW, nh // (_NW * _GCHUNK), _GCHUNK))

    i0 = stage_argmin(z_flat, rn, codebook0, en0)
    q0 = gather(table0, i0)
    t0 = q0[:, :d] - z_flat
    qs0 = z_flat + t0
    r1 = z_flat - qs0
    rn1 = jnp.sum(r1 ** 2, axis=1, keepdims=True)
    i1 = stage_argmin(r1, rn1, codebook1, en1)
    q1 = gather(table1, i1)
    q, l0, l1 = stage_c(z_flat, q0, q1)

    nd = jnp.float32(n * d)
    m0 = l0[0, 0] / nd
    m1 = l1[0, 0] / nd
    loss0 = m0 + 0.25 * m0
    loss1 = m1 + 0.25 * m1
    total = loss0 + loss1
    return (total, q, i0.reshape(n), i1.reshape(n))

# --- scband reference (transcript-rebuilt; emitter-appended) ---
"""Pipeline reference for scband-residual-vector-quantizer-ema-76897094468434 (READ-ONLY COPY).

The authoritative reference and input builder live on the scoring server;
editing this copy changes nothing except your own understanding.
"""

import jax, jax.numpy as jnp
import numpy as np

N = 36864  # batch 64 * (384/16)^2 tokens, flattened
CODEBOOK_SIZE = 1024
CODE_DIM = 64
NUM_LAYERS = 2
COMMITMENT_COST = 0.25


def setup_inputs(seed: int = 0) -> dict:
    key = jax.random.key(seed)
    k1, k2, k3 = jax.random.split(key, 3)
    z_flat = jax.random.normal(k1, (N, CODE_DIM), dtype=jnp.float32)
    # 'uniform' init: uniform in (-1/codebook_size, 1/codebook_size)
    lim = 1.0 / CODEBOOK_SIZE
    codebook0 = jax.random.uniform(k2, (CODEBOOK_SIZE, CODE_DIM), minval=-lim, maxval=lim, dtype=jnp.float32)
    codebook1 = jax.random.uniform(k3, (CODEBOOK_SIZE, CODE_DIM), minval=-lim, maxval=lim, dtype=jnp.float32)
    return {"z_flat": z_flat, "codebook0": codebook0, "codebook1": codebook1}


def _quantize_layer(residual, embed):
    # distances: ||r||^2 + ||e||^2 - 2 r e^T  -> [N, K]
    distances = (jnp.sum(residual ** 2, axis=1, keepdims=True)
                 + jnp.sum(embed ** 2, axis=1)
                 - 2.0 * jnp.matmul(residual, embed.T))
    indices = jnp.argmin(distances, axis=1)
    quantized = jnp.take(embed, indices, axis=0)
    e_latent_loss = jnp.mean((jax.lax.stop_gradient(quantized) - residual) ** 2)
    q_latent_loss = jnp.mean((quantized - jax.lax.stop_gradient(residual)) ** 2)
    loss = q_latent_loss + COMMITMENT_COST * e_latent_loss
    # straight-through estimator
    quantized_ste = residual + jax.lax.stop_gradient(quantized - residual)
    return loss, quantized_ste, indices


def reference(z_flat, codebook0, codebook1):
    # Eval-mode forward (no EMA buffer updates)
    residual = z_flat
    total_loss = jnp.zeros((), dtype=z_flat.dtype)
    quantized_parts = []
    indices_list = []
    for embed in (codebook0, codebook1):
        loss, q_ste, idx = _quantize_layer(residual, embed)
        total_loss = total_loss + loss
        residual = residual - jax.lax.stop_gradient(q_ste)
        quantized_parts.append(q_ste)
        indices_list.append(idx)
    quantized = quantized_parts[0] + quantized_parts[1]
    return (total_loss, quantized, indices_list[0], indices_list[1])

if __name__ == "__main__":
    import jax
    _d = setup_inputs()
    print(jax.jit(kernel)(*tuple(_d.values())))

</pallas_src>

<mosaic_0001>
#map = affine_map<(d0, d1) -> (0, 0)>
#map1 = affine_map<(d0, d1) -> (0, 0, 0)>
module attributes {stable_mosaic.version = 14 : i64} {
  func.func @k(%arg0: i32, %arg1: i32, %arg2: memref<1024x128xf32, #tpu.memory_space<hbm>>, %arg3: memref<32x9x128xi32, #tpu.memory_space<hbm>>, %arg4: memref<36864x128xf32, #tpu.memory_space<hbm>>, %arg5: memref<9x128xi32, #tpu.memory_space<vmem>>, %arg6: memref<128x128xf32, #tpu.memory_space<vmem>>, %arg7: memref<128x128xf32, #tpu.memory_space<vmem>>, %arg8: memref<!tpu.dma_semaphore, #tpu.memory_space<semaphore_mem>>, %arg9: memref<!tpu.dma_semaphore, #tpu.memory_space<semaphore_mem>>) attributes {dimension_semantics = [#tpu.dimension_semantics<core_parallel>, #tpu.dimension_semantics<subcore_parallel>], iteration_bounds = array<i64: 2, 16>, scalar_prefetch = 0 : i64, scratch_operands = 5 : i64, tpu.core_type = #tpu.core_type<sc_vector_subcore>, window_params = [{transform_indices = #map}, {transform_indices = #map1}, {transform_indices = #map}]} {
    %mul3A = arith.constant 2 : i32
    %mul3A_0 = arith.muli %arg1, %mul3A : i32
    %add3A = arith.addi %mul3A_0, %arg0 : i32
    %mul3A_1 = arith.constant 1152 : i32
    %mul3A_2 = arith.muli %add3A, %mul3A_1 : i32
    "tpu.region"() ({
      %run_scoped3A = tpu.sem_alloc : memref<!tpu.dma_semaphore, #tpu.memory_space<semaphore_mem>>
      %dma_start3A_145 = arith.constant 0 : i32
      %dma_start3A_146 = arith.constant 0 : i32
      %dma_start3A_147 = tpu.memref_slice %arg3[%add3A, %dma_start3A_145, %dma_start3A_146] : memref<32x9x128xi32, #tpu.memory_space<hbm>> -> memref<1x9x128xi32, #tpu.memory_space<hbm>>
      %dma_start3A_148 = tpu.memref_squeeze %dma_start3A_147 : memref<1x9x128xi32, #tpu.memory_space<hbm>> -> memref<9x128xi32, #tpu.memory_space<hbm>>
      %dma_start3A_149 = arith.constant 0 : i32
      %dma_start3A_150 = arith.constant 0 : i32
      %dma_start3A_151 = tpu.memref_slice %arg3[%add3A, %dma_start3A_149, %dma_start3A_150] : memref<32x9x128xi32, #tpu.memory_space<hbm>> -> memref<1x9x128xi32, #tpu.memory_space<hbm>>
      %dma_start3A_152 = tpu.memref_squeeze %dma_start3A_151 : memref<1x9x128xi32, #tpu.memory_space<hbm>> -> memref<9x128xi32, #tpu.memory_space<hbm>>
      tpu.enqueue_dma source(%dma_start3A_152 : memref<9x128xi32, #tpu.memory_space<hbm>>) target(%arg5 : memref<9x128xi32, #tpu.memory_space<vmem>>) target_semaphore(%run_scoped3A : memref<!tpu.dma_semaphore, #tpu.memory_space<semaphore_mem>>)
      %dma_wait3A_153 = arith.constant 0 : i32
      %dma_wait3A_154 = arith.constant 0 : i32
      %dma_wait3A_155 = tpu.memref_slice %arg3[%add3A, %dma_wait3A_153, %dma_wait3A_154] : memref<32x9x128xi32, #tpu.memory_space<hbm>> -> memref<1x9x128xi32, #tpu.memory_space<hbm>>
      %dma_wait3A_156 = tpu.memref_squeeze %dma_wait3A_155 : memref<1x9x128xi32, #tpu.memory_space<hbm>> -> memref<9x128xi32, #tpu.memory_space<hbm>>
      %dma_wait3A_157 = arith.constant 0 : i32
      %dma_wait3A_158 = arith.constant 0 : i32
      %dma_wait3A_159 = tpu.memref_slice %arg3[%add3A, %dma_wait3A_157, %dma_wait3A_158] : memref<32x9x128xi32, #tpu.memory_space<hbm>> -> memref<1x9x128xi32, #tpu.memory_space<hbm>>
      %dma_wait3A_160 = tpu.memref_squeeze %dma_wait3A_159 : memref<1x9x128xi32, #tpu.memory_space<hbm>> -> memref<9x128xi32, #tpu.memory_space<hbm>>
      tpu.wait_dma2 semaphore(%run_scoped3A : memref<!tpu.dma_semaphore, #tpu.memory_space<semaphore_mem>>) src(%dma_wait3A_160 : memref<9x128xi32, #tpu.memory_space<hbm>>) dst(%arg5 : memref<9x128xi32, #tpu.memory_space<vmem>>)
      tpu.yield
    }) : () -> ()
    %dma_start3A = arith.constant 0 : i32
    %dma_start3A_3 = arith.constant 0 : i32
    %dma_start3A_4 = tpu.memref_slice %arg5[%dma_start3A, %dma_start3A_3] : memref<9x128xi32, #tpu.memory_space<vmem>> -> memref<1x128xi32, #tpu.memory_space<vmem>>
    %dma_start3A_5 = tpu.memref_squeeze %dma_start3A_4 : memref<1x128xi32, #tpu.memory_space<vmem>> -> memref<128xi32, #tpu.memory_space<vmem>>
    %dma_start3A_6 = arith.constant 0 : i32
    %dma_start3A_7 = arith.constant 0 : i32
    %dma_start3A_8 = tpu.memref_slice %arg2[%dma_start3A_6, %dma_start3A_7] : memref<1024x128xf32, #tpu.memory_space<hbm>> -> memref<1024x128xf32, #tpu.memory_space<hbm>>
    tpu.enqueue_indirect_dma source(%dma_start3A_8 : memref<1024x128xf32, #tpu.memory_space<hbm>>) target(%arg6 : memref<128x128xf32, #tpu.memory_space<vmem>>) offsets(%dma_start3A_5 : memref<128xi32, #tpu.memory_space<vmem>>) semaphore(%arg8 : memref<!tpu.dma_semaphore, #tpu.memory_space<semaphore_mem>>)
    %dma_start3A_9 = arith.constant 1 : i32
    %dma_start3A_10 = arith.constant 0 : i32
    %dma_start3A_11 = tpu.memref_slice %arg5[%dma_start3A_9, %dma_start3A_10] : memref<9x128xi32, #tpu.memory_space<vmem>> -> memref<1x128xi32, #tpu.memory_space<vmem>>
    %dma_start3A_12 = tpu.memref_squeeze %dma_start3A_11 : memref<1x128xi32, #tpu.memory_space<vmem>> -> memref<128xi32, #tpu.memory_space<vmem>>
    %dma_start3A_13 = arith.constant 0 : i32
    %dma_start3A_14 = arith.constant 0 : i32
    %dma_start3A_15 = tpu.memref_slice %arg2[%dma_start3A_13, %dma_start3A_14] : memref<1024x128xf32, #tpu.memory_space<hbm>> -> memref<1024x128xf32, #tpu.memory_space<hbm>>
    tpu.enqueue_indirect_dma source(%dma_start3A_15 : memref<1024x128xf32, #tpu.memory_space<hbm>>) target(%arg7 : memref<128x128xf32, #tpu.memory_space<vmem>>) offsets(%dma_start3A_12 : memref<128xi32, #tpu.memory_space<vmem>>) semaphore(%arg9 : memref<!tpu.dma_semaphore, #tpu.memory_space<semaphore_mem>>)
    %dma_wait3A = arith.constant 0 : i32
    %dma_wait3A_16 = arith.constant 0 : i32
    %dma_wait3A_17 = tpu.memref_slice %arg5[%dma_wait3A, %dma_wait3A_16] : memref<9x128xi32, #tpu.memory_space<vmem>> -> memref<1x128xi32, #tpu.memory_space<vmem>>
    %dma_wait3A_18 = tpu.memref_squeeze %dma_wait3A_17 : memref<1x128xi32, #tpu.memory_space<vmem>> -> memref<128xi32, #tpu.memory_space<vmem>>
    %dma_wait3A_19 = arith.constant 0 : i32
    %dma_wait3A_20 = arith.constant 0 : i32
    %dma_wait3A_21 = tpu.memref_slice %arg2[%dma_wait3A_19, %dma_wait3A_20] : memref<1024x128xf32, #tpu.memory_space<hbm>> -> memref<1024x128xf32, #tpu.memory_space<hbm>>
    tpu.wait_indirect_dma semaphore(%arg8 : memref<!tpu.dma_semaphore, #tpu.memory_space<semaphore_mem>>) src(%dma_wait3A_21 : memref<1024x128xf32, #tpu.memory_space<hbm>>) dst(%arg6 : memref<128x128xf32, #tpu.memory_space<vmem>>)
    %add3A_22 = arith.constant 0 : i32
    %add3A_23 = arith.addi %mul3A_2, %add3A_22 : i32
    "tpu.region"() ({
      %run_scoped3A = tpu.sem_alloc : memref<!tpu.dma_semaphore, #tpu.memory_space<semaphore_mem>>
      %dma_start3A_145 = arith.constant 0 : i32
      %dma_start3A_146 = tpu.memref_slice %arg4[%add3A_23, %dma_start3A_145] : memref<36864x128xf32, #tpu.memory_space<hbm>> -> memref<128x128xf32, #tpu.memory_space<hbm>>
      %dma_start3A_147 = arith.constant 0 : i32
      %dma_start3A_148 = tpu.memref_slice %arg4[%add3A_23, %dma_start3A_147] : memref<36864x128xf32, #tpu.memory_space<hbm>> -> memref<128x128xf32, #tpu.memory_space<hbm>>
      tpu.enqueue_dma source(%arg6 : memref<128x128xf32, #tpu.memory_space<vmem>>) target(%dma_start3A_148 : memref<128x128xf32, #tpu.memory_space<hbm>>) target_semaphore(%run_scoped3A : memref<!tpu.dma_semaphore, #tpu.memory_space<semaphore_mem>>)
      %dma_wait3A_149 = arith.constant 0 : i32
      %dma_wait3A_150 = tpu.memref_slice %arg4[%add3A_23, %dma_wait3A_149] : memref<36864x128xf32, #tpu.memory_space<hbm>> -> memref<128x128xf32, #tpu.memory_space<hbm>>
      %dma_wait3A_151 = arith.constant 0 : i32
      %dma_wait3A_152 = tpu.memref_slice %arg4[%add3A_23, %dma_wait3A_151] : memref<36864x128xf32, #tpu.memory_space<hbm>> -> memref<128x128xf32, #tpu.memory_space<hbm>>
      tpu.wait_dma2 semaphore(%run_scoped3A : memref<!tpu.dma_semaphore, #tpu.memory_space<semaphore_mem>>) src(%arg6 : memref<128x128xf32, #tpu.memory_space<vmem>>) dst(%dma_wait3A_152 : memref<128x128xf32, #tpu.memory_space<hbm>>)
      tpu.yield
    }) : () -> ()
    %dma_start3A_24 = arith.constant 2 : i32
    %dma_start3A_25 = arith.constant 0 : i32
    %dma_start3A_26 = tpu.memref_slice %arg5[%dma_start3A_24, %dma_start3A_25] : memref<9x128xi32, #tpu.memory_space<vmem>> -> memref<1x128xi32, #tpu.memory_space<vmem>>
    %dma_start3A_27 = tpu.memref_squeeze %dma_start3A_26 : memref<1x128xi32, #tpu.memory_space<vmem>> -> memref<128xi32, #tpu.memory_space<vmem>>
    %dma_start3A_28 = arith.constant 0 : i32
    %dma_start3A_29 = arith.constant 0 : i32
    %dma_start3A_30 = tpu.memref_slice %arg2[%dma_start3A_28, %dma_start3A_29] : memref<1024x128xf32, #tpu.memory_space<hbm>> -> memref<1024x128xf32, #tpu.memory_space<hbm>>
    tpu.enqueue_indirect_dma source(%dma_start3A_30 : memref<1024x128xf32, #tpu.memory_space<hbm>>) target(%arg6 : memref<128x128xf32, #tpu.memory_space<vmem>>) offsets(%dma_start3A_27 : memref<128xi32, #tpu.memory_space<vmem>>) semaphore(%arg8 : memref<!tpu.dma_semaphore, #tpu.memory_space<semaphore_mem>>)
    %dma_wait3A_31 = arith.constant 1 : i32
    %dma_wait3A_32 = arith.constant 0 : i32
    %dma_wait3A_33 = tpu.memref_slice %arg5[%dma_wait3A_31, %dma_wait3A_32] : memref<9x128xi32, #tpu.memory_space<vmem>> -> memref<1x128xi32, #tpu.memory_space<vmem>>
    %dma_wait3A_34 = tpu.memref_squeeze %dma_wait3A_33 : memref<1x128xi32, #tpu.memory_space<vmem>> -> memref<128xi32, #tpu.memory_space<vmem>>
    %dma_wait3A_35 = arith.constant 0 : i32
    %dma_wait3A_36 = arith.constant 0 : i32
    %dma_wait3A_37 = tpu.memref_slice %arg2[%dma_wait3A_35, %dma_wait3A_36] : memref<1024x128xf32, #tpu.memory_space<hbm>> -> memref<1024x128xf32, #tpu.memory_space<hbm>>
    tpu.wait_indirect_dma semaphore(%arg9 : memref<!tpu.dma_semaphore, #tpu.memory_space<semaphore_mem>>) src(%dma_wait3A_37 : memref<1024x128xf32, #tpu.memory_space<hbm>>) dst(%arg7 : memref<128x128xf32, #tpu.memory_space<vmem>>)
    %add3A_38 = arith.constant 128 : i32
    %add3A_39 = arith.addi %mul3A_2, %add3A_38 : i32
    "tpu.region"() ({
      %run_scoped3A = tpu.sem_alloc : memref<!tpu.dma_semaphore, #tpu.memory_space<semaphore_mem>>
      %dma_start3A_145 = arith.constant 0 : i32
      %dma_start3A_146 = tpu.memref_slice %arg4[%add3A_39, %dma_start3A_145] : memref<36864x128xf32, #tpu.memory_space<hbm>> -> memref<128x128xf32, #tpu.memory_space<hbm>>
      %dma_start3A_147 = arith.constant 0 : i32
      %dma_start3A_148 = tpu.memref_slice %arg4[%add3A_39, %dma_start3A_147] : memref<36864x128xf32, #tpu.memory_space<hbm>> -> memref<128x128xf32, #tpu.memory_space<hbm>>
      tpu.enqueue_dma source(%arg7 : memref<128x128xf32, #tpu.memory_space<vmem>>) target(%dma_start3A_148 : memref<128x128xf32, #tpu.memory_space<hbm>>) target_semaphore(%run_scoped3A : memref<!tpu.dma_semaphore, #tpu.memory_space<semaphore_mem>>)
      %dma_wait3A_149 = arith.constant 0 : i32
      %dma_wait3A_150 = tpu.memref_slice %arg4[%add3A_39, %dma_wait3A_149] : memref<36864x128xf32, #tpu.memory_space<hbm>> -> memref<128x128xf32, #tpu.memory_space<hbm>>
      %dma_wait3A_151 = arith.constant 0 : i32
      %dma_wait3A_152 = tpu.memref_slice %arg4[%add3A_39, %dma_wait3A_151] : memref<36864x128xf32, #tpu.memory_space<hbm>> -> memref<128x128xf32, #tpu.memory_space<hbm>>
      tpu.wait_dma2 semaphore(%run_scoped3A : memref<!tpu.dma_semaphore, #tpu.memory_space<semaphore_mem>>) src(%arg7 : memref<128x128xf32, #tpu.memory_space<vmem>>) dst(%dma_wait3A_152 : memref<128x128xf32, #tpu.memory_space<hbm>>)
      tpu.yield
    }) : () -> ()
    %dma_start3A_40 = arith.constant 3 : i32
    %dma_start3A_41 = arith.constant 0 : i32
    %dma_start3A_42 = tpu.memref_slice %arg5[%dma_start3A_40, %dma_start3A_41] : memref<9x128xi32, #tpu.memory_space<vmem>> -> memref<1x128xi32, #tpu.memory_space<vmem>>
    %dma_start3A_43 = tpu.memref_squeeze %dma_start3A_42 : memref<1x128xi32, #tpu.memory_space<vmem>> -> memref<128xi32, #tpu.memory_space<vmem>>
    %dma_start3A_44 = arith.constant 0 : i32
    %dma_start3A_45 = arith.constant 0 : i32
    %dma_start3A_46 = tpu.memref_slice %arg2[%dma_start3A_44, %dma_start3A_45] : memref<1024x128xf32, #tpu.memory_space<hbm>> -> memref<1024x128xf32, #tpu.memory_space<hbm>>
    tpu.enqueue_indirect_dma source(%dma_start3A_46 : memref<1024x128xf32, #tpu.memory_space<hbm>>) target(%arg7 : memref<128x128xf32, #tpu.memory_space<vmem>>) offsets(%dma_start3A_43 : memref<128xi32, #tpu.memory_space<vmem>>) semaphore(%arg9 : memref<!tpu.dma_semaphore, #tpu.memory_space<semaphore_mem>>)
    %dma_wait3A_47 = arith.constant 2 : i32
    %dma_wait3A_48 = arith.constant 0 : i32
    %dma_wait3A_49 = tpu.memref_slice %arg5[%dma_wait3A_47, %dma_wait3A_48] : memref<9x128xi32, #tpu.memory_space<vmem>> -> memref<1x128xi32, #tpu.memory_space<vmem>>
    %dma_wait3A_50 = tpu.memref_squeeze %dma_wait3A_49 : memref<1x128xi32, #tpu.memory_space<vmem>> -> memref<128xi32, #tpu.memory_space<vmem>>
    %dma_wait3A_51 = arith.constant 0 : i32
    %dma_wait3A_52 = arith.constant 0 : i32
    %dma_wait3A_53 = tpu.memref_slice %arg2[%dma_wait3A_51, %dma_wait3A_52] : memref<1024x128xf32, #tpu.memory_space<hbm>> -> memref<1024x128xf32, #tpu.memory_space<hbm>>
    tpu.wait_indirect_dma semaphore(%arg8 : memref<!tpu.dma_semaphore, #tpu.memory_space<semaphore_mem>>) src(%dma_wait3A_53 : memref<1024x128xf32, #tpu.memory_space<hbm>>) dst(%arg6 : memref<128x128xf32, #tpu.memory_space<vmem>>)
    %add3A_54 = arith.constant 256 : i32
    %add3A_55 = arith.addi %mul3A_2, %add3A_54 : i32
    "tpu.region"() ({
      %run_scoped3A = tpu.sem_alloc : memref<!tpu.dma_semaphore, #tpu.memory_space<semaphore_mem>>
      %dma_start3A_145 = arith.constant 0 : i32
      %dma_start3A_146 = tpu.memref_slice %arg4[%add3A_55, %dma_start3A_145] : memref<36864x128xf32, #tpu.memory_space<hbm>> -> memref<128x128xf32, #tpu.memory_space<hbm>>
      %dma_start3A_147 = arith.constant 0 : i32
      %dma_start3A_148 = tpu.memref_slice %arg4[%add3A_55, %dma_start3A_147] : memref<36864x128xf32, #tpu.memory_space<hbm>> -> memref<128x128xf32, #tpu.memory_space<hbm>>
      tpu.enqueue_dma source(%arg6 : memref<128x128xf32, #tpu.memory_space<vmem>>) target(%dma_start3A_148 : memref<128x128xf32, #tpu.memory_space<hbm>>) target_semaphore(%run_scoped3A : memref<!tpu.dma_semaphore, #tpu.memory_space<semaphore_mem>>)
      %dma_wait3A_149 = arith.constant 0 : i32
      %dma_wait3A_150 = tpu.memref_slice %arg4[%add3A_55, %dma_wait3A_149] : memref<36864x128xf32, #tpu.memory_space<hbm>> -> memref<128x128xf32, #tpu.memory_space<hbm>>
      %dma_wait3A_151 = arith.constant 0 : i32
      %dma_wait3A_152 = tpu.memref_slice %arg4[%add3A_55, %dma_wait3A_151] : memref<36864x128xf32, #tpu.memory_space<hbm>> -> memref<128x128xf32, #tpu.memory_space<hbm>>
      tpu.wait_dma2 semaphore(%run_scoped3A : memref<!tpu.dma_semaphore, #tpu.memory_space<semaphore_mem>>) src(%arg6 : memref<128x128xf32, #tpu.memory_space<vmem>>) dst(%dma_wait3A_152 : memref<128x128xf32, #tpu.memory_space<hbm>>)
      tpu.yield
    }) : () -> ()
    %dma_start3A_56 = arith.constant 4 : i32
    %dma_start3A_57 = arith.constant 0 : i32
    %dma_start3A_58 = tpu.memref_slice %arg5[%dma_start3A_56, %dma_start3A_57] : memref<9x128xi32, #tpu.memory_space<vmem>> -> memref<1x128xi32, #tpu.memory_space<vmem>>
    %dma_start3A_59 = tpu.memref_squeeze %dma_start3A_58 : memref<1x128xi32, #tpu.memory_space<vmem>> -> memref<128xi32, #tpu.memory_space<vmem>>
    %dma_start3A_60 = arith.constant 0 : i32
    %dma_start3A_61 = arith.constant 0 : i32
    %dma_start3A_62 = tpu.memref_slice %arg2[%dma_start3A_60, %dma_start3A_61] : memref<1024x128xf32, #tpu.memory_space<hbm>> -> memref<1024x128xf32, #tpu.memory_space<hbm>>
    tpu.enqueue_indirect_dma source(%dma_start3A_62 : memref<1024x128xf32, #tpu.memory_space<hbm>>) target(%arg6 : memref<128x128xf32, #tpu.memory_space<vmem>>) offsets(%dma_start3A_59 : memref<128xi32, #tpu.memory_space<vmem>>) semaphore(%arg8 : memref<!tpu.dma_semaphore, #tpu.memory_space<semaphore_mem>>)
    %dma_wait3A_63 = arith.constant 3 : i32
    %dma_wait3A_64 = arith.constant 0 : i32
    %dma_wait3A_65 = tpu.memref_slice %arg5[%dma_wait3A_63, %dma_wait3A_64] : memref<9x128xi32, #tpu.memory_space<vmem>> -> memref<1x128xi32, #tpu.memory_space<vmem>>
    %dma_wait3A_66 = tpu.memref_squeeze %dma_wait3A_65 : memref<1x128xi32, #tpu.memory_space<vmem>> -> memref<128xi32, #tpu.memory_space<vmem>>
    %dma_wait3A_67 = arith.constant 0 : i32
    %dma_wait3A_68 = arith.constant 0 : i32
    %dma_wait3A_69 = tpu.memref_slice %arg2[%dma_wait3A_67, %dma_wait3A_68] : memref<1024x128xf32, #tpu.memory_space<hbm>> -> memref<1024x128xf32, #tpu.memory_space<hbm>>
    tpu.wait_indirect_dma semaphore(%arg9 : memref<!tpu.dma_semaphore, #tpu.memory_space<semaphore_mem>>) src(%dma_wait3A_69 : memref<1024x128xf32, #tpu.memory_space<hbm>>) dst(%arg7 : memref<128x128xf32, #tpu.memory_space<vmem>>)
    %add3A_70 = arith.constant 384 : i32
    %add3A_71 = arith.addi %mul3A_2, %add3A_70 : i32
    "tpu.region"() ({
      %run_scoped3A = tpu.sem_alloc : memref<!tpu.dma_semaphore, #tpu.memory_space<semaphore_mem>>
      %dma_start3A_145 = arith.constant 0 : i32
      %dma_start3A_146 = tpu.memref_slice %arg4[%add3A_71, %dma_start3A_145] : memref<36864x128xf32, #tpu.memory_space<hbm>> -> memref<128x128xf32, #tpu.memory_space<hbm>>
      %dma_start3A_147 = arith.constant 0 : i32
      %dma_start3A_148 = tpu.memref_slice %arg4[%add3A_71, %dma_start3A_147] : memref<36864x128xf32, #tpu.memory_space<hbm>> -> memref<128x128xf32, #tpu.memory_space<hbm>>
      tpu.enqueue_dma source(%arg7 : memref<128x128xf32, #tpu.memory_space<vmem>>) target(%dma_start3A_148 : memref<128x128xf32, #tpu.memory_space<hbm>>) target_semaphore(%run_scoped3A : memref<!tpu.dma_semaphore, #tpu.memory_space<semaphore_mem>>)
      %dma_wait3A_149 = arith.constant 0 : i32
      %dma_wait3A_150 = tpu.memref_slice %arg4[%add3A_71, %dma_wait3A_149] : memref<36864x128xf32, #tpu.memory_space<hbm>> -> memref<128x128xf32, #tpu.memory_space<hbm>>
      %dma_wait3A_151 = arith.constant 0 : i32
      %dma_wait3A_152 = tpu.memref_slice %arg4[%add3A_71, %dma_wait3A_151] : memref<36864x128xf32, #tpu.memory_space<hbm>> -> memref<128x128xf32, #tpu.memory_space<hbm>>
      tpu.wait_dma2 semaphore(%run_scoped3A : memref<!tpu.dma_semaphore, #tpu.memory_space<semaphore_mem>>) src(%arg7 : memref<128x128xf32, #tpu.memory_space<vmem>>) dst(%dma_wait3A_152 : memref<128x128xf32, #tpu.memory_space<hbm>>)
      tpu.yield
    }) : () -> ()
    %dma_start3A_72 = arith.constant 5 : i32
    %dma_start3A_73 = arith.constant 0 : i32
    %dma_start3A_74 = tpu.memref_slice %arg5[%dma_start3A_72, %dma_start3A_73] : memref<9x128xi32, #tpu.memory_space<vmem>> -> memref<1x128xi32, #tpu.memory_space<vmem>>
    %dma_start3A_75 = tpu.memref_squeeze %dma_start3A_74 : memref<1x128xi32, #tpu.memory_space<vmem>> -> memref<128xi32, #tpu.memory_space<vmem>>
    %dma_start3A_76 = arith.constant 0 : i32
    %dma_start3A_77 = arith.constant 0 : i32
    %dma_start3A_78 = tpu.memref_slice %arg2[%dma_start3A_76, %dma_start3A_77] : memref<1024x128xf32, #tpu.memory_space<hbm>> -> memref<1024x128xf32, #tpu.memory_space<hbm>>
    tpu.enqueue_indirect_dma source(%dma_start3A_78 : memref<1024x128xf32, #tpu.memory_space<hbm>>) target(%arg7 : memref<128x128xf32, #tpu.memory_space<vmem>>) offsets(%dma_start3A_75 : memref<128xi32, #tpu.memory_space<vmem>>) semaphore(%arg9 : memref<!tpu.dma_semaphore, #tpu.memory_space<semaphore_mem>>)
    %dma_wait3A_79 = arith.constant 4 : i32
    %dma_wait3A_80 = arith.constant 0 : i32
    %dma_wait3A_81 = tpu.memref_slice %arg5[%dma_wait3A_79, %dma_wait3A_80] : memref<9x128xi32, #tpu.memory_space<vmem>> -> memref<1x128xi32, #tpu.memory_space<vmem>>
    %dma_wait3A_82 = tpu.memref_squeeze %dma_wait3A_81 : memref<1x128xi32, #tpu.memory_space<vmem>> -> memref<128xi32, #tpu.memory_space<vmem>>
    %dma_wait3A_83 = arith.constant 0 : i32
    %dma_wait3A_84 = arith.constant 0 : i32
    %dma_wait3A_85 = tpu.memref_slice %arg2[%dma_wait3A_83, %dma_wait3A_84] : memref<1024x128xf32, #tpu.memory_space<hbm>> -> memref<1024x128xf32, #tpu.memory_space<hbm>>
    tpu.wait_indirect_dma semaphore(%arg8 : memref<!tpu.dma_semaphore, #tpu.memory_space<semaphore_mem>>) src(%dma_wait3A_85 : memref<1024x128xf32, #tpu.memory_space<hbm>>) dst(%arg6 : memref<128x128xf32, #tpu.memory_space<vmem>>)
    %add3A_86 = arith.constant 512 : i32
    %add3A_87 = arith.addi %mul3A_2, %add3A_86 : i32
    "tpu.region"() ({
      %run_scoped3A = tpu.sem_alloc : memref<!tpu.dma_semaphore, #tpu.memory_space<semaphore_mem>>
      %dma_start3A_145 = arith.constant 0 : i32
      %dma_start3A_146 = tpu.memref_slice %arg4[%add3A_87, %dma_start3A_145] : memref<36864x128xf32, #tpu.memory_space<hbm>> -> memref<128x128xf32, #tpu.memory_space<hbm>>
      %dma_start3A_147 = arith.constant 0 : i32
      %dma_start3A_148 = tpu.memref_slice %arg4[%add3A_87, %dma_start3A_147] : memref<36864x128xf32, #tpu.memory_space<hbm>> -> memref<128x128xf32, #tpu.memory_space<hbm>>
      tpu.enqueue_dma source(%arg6 : memref<128x128xf32, #tpu.memory_space<vmem>>) target(%dma_start3A_148 : memref<128x128xf32, #tpu.memory_space<hbm>>) target_semaphore(%run_scoped3A : memref<!tpu.dma_semaphore, #tpu.memory_space<semaphore_mem>>)
      %dma_wait3A_149 = arith.constant 0 : i32
      %dma_wait3A_150 = tpu.memref_slice %arg4[%add3A_87, %dma_wait3A_149] : memref<36864x128xf32, #tpu.memory_space<hbm>> -> memref<128x128xf32, #tpu.memory_space<hbm>>
      %dma_wait3A_151 = arith.constant 0 : i32
      %dma_wait3A_152 = tpu.memref_slice %arg4[%add3A_87, %dma_wait3A_151] : memref<36864x128xf32, #tpu.memory_space<hbm>> -> memref<128x128xf32, #tpu.memory_space<hbm>>
      tpu.wait_dma2 semaphore(%run_scoped3A : memref<!tpu.dma_semaphore, #tpu.memory_space<semaphore_mem>>) src(%arg6 : memref<128x128xf32, #tpu.memory_space<vmem>>) dst(%dma_wait3A_152 : memref<128x128xf32, #tpu.memory_space<hbm>>)
      tpu.yield
    }) : () -> ()
    %dma_start3A_88 = arith.constant 6 : i32
    %dma_start3A_89 = arith.constant 0 : i32
    %dma_start3A_90 = tpu.memref_slice %arg5[%dma_start3A_88, %dma_start3A_89] : memref<9x128xi32, #tpu.memory_space<vmem>> -> memref<1x128xi32, #tpu.memory_space<vmem>>
    %dma_start3A_91 = tpu.memref_squeeze %dma_start3A_90 : memref<1x128xi32, #tpu.memory_space<vmem>> -> memref<128xi32, #tpu.memory_space<vmem>>
    %dma_start3A_92 = arith.constant 0 : i32
    %dma_start3A_93 = arith.constant 0 : i32
    %dma_start3A_94 = tpu.memref_slice %arg2[%dma_start3A_92, %dma_start3A_93] : memref<1024x128xf32, #tpu.memory_space<hbm>> -> memref<1024x128xf32, #tpu.memory_space<hbm>>
    tpu.enqueue_indirect_dma source(%dma_start3A_94 : memref<1024x128xf32, #tpu.memory_space<hbm>>) target(%arg6 : memref<128x128xf32, #tpu.memory_space<vmem>>) offsets(%dma_start3A_91 : memref<128xi32, #tpu.memory_space<vmem>>) semaphore(%arg8 : memref<!tpu.dma_semaphore, #tpu.memory_space<semaphore_mem>>)
    %dma_wait3A_95 = arith.constant 5 : i32
    %dma_wait3A_96 = arith.constant 0 : i32
    %dma_wait3A_97 = tpu.memref_slice %arg5[%dma_wait3A_95, %dma_wait3A_96] : memref<9x128xi32, #tpu.memory_space<vmem>> -> memref<1x128xi32, #tpu.memory_space<vmem>>
    %dma_wait3A_98 = tpu.memref_squeeze %dma_wait3A_97 : memref<1x128xi32, #tpu.memory_space<vmem>> -> memref<128xi32, #tpu.memory_space<vmem>>
    %dma_wait3A_99 = arith.constant 0 : i32
    %dma_wait3A_100 = arith.constant 0 : i32
    %dma_wait3A_101 = tpu.memref_slice %arg2[%dma_wait3A_99, %dma_wait3A_100] : memref<1024x128xf32, #tpu.memory_space<hbm>> -> memref<1024x128xf32, #tpu.memory_space<hbm>>
    tpu.wait_indirect_dma semaphore(%arg9 : memref<!tpu.dma_semaphore, #tpu.memory_space<semaphore_mem>>) src(%dma_wait3A_101 : memref<1024x128xf32, #tpu.memory_space<hbm>>) dst(%arg7 : memref<128x128xf32, #tpu.memory_space<vmem>>)
    %add3A_102 = arith.constant 640 : i32
    %add3A_103 = arith.addi %mul3A_2, %add3A_102 : i32
    "tpu.region"() ({
      %run_scoped3A = tpu.sem_alloc : memref<!tpu.dma_semaphore, #tpu.memory_space<semaphore_mem>>
      %dma_start3A_145 = arith.constant 0 : i32
      %dma_start3A_146 = tpu.memref_slice %arg4[%add3A_103, %dma_start3A_145] : memref<36864x128xf32, #tpu.memory_space<hbm>> -> memref<128x128xf32, #tpu.memory_space<hbm>>
      %dma_start3A_147 = arith.constant 0 : i32
      %dma_start3A_148 = tpu.memref_slice %arg4[%add3A_103, %dma_start3A_147] : memref<36864x128xf32, #tpu.memory_space<hbm>> -> memref<128x128xf32, #tpu.memory_space<hbm>>
      tpu.enqueue_dma source(%arg7 : memref<128x128xf32, #tpu.memory_space<vmem>>) target(%dma_start3A_148 : memref<128x128xf32, #tpu.memory_space<hbm>>) target_semaphore(%run_scoped3A : memref<!tpu.dma_semaphore, #tpu.memory_space<semaphore_mem>>)
      %dma_wait3A_149 = arith.constant 0 : i32
      %dma_wait3A_150 = tpu.memref_slice %arg4[%add3A_103, %dma_wait3A_149] : memref<36864x128xf32, #tpu.memory_space<hbm>> -> memref<128x128xf32, #tpu.memory_space<hbm>>
      %dma_wait3A_151 = arith.constant 0 : i32
      %dma_wait3A_152 = tpu.memref_slice %arg4[%add3A_103, %dma_wait3A_151] : memref<36864x128xf32, #tpu.memory_space<hbm>> -> memref<128x128xf32, #tpu.memory_space<hbm>>
      tpu.wait_dma2 semaphore(%run_scoped3A : memref<!tpu.dma_semaphore, #tpu.memory_space<semaphore_mem>>) src(%arg7 : memref<128x128xf32, #tpu.memory_space<vmem>>) dst(%dma_wait3A_152 : memref<128x128xf32, #tpu.memory_space<hbm>>)
      tpu.yield
    }) : () -> ()
    %dma_start3A_104 = arith.constant 7 : i32
    %dma_start3A_105 = arith.constant 0 : i32
    %dma_start3A_106 = tpu.memref_slice %arg5[%dma_start3A_104, %dma_start3A_105] : memref<9x128xi32, #tpu.memory_space<vmem>> -> memref<1x128xi32, #tpu.memory_space<vmem>>
    %dma_start3A_107 = tpu.memref_squeeze %dma_start3A_106 : memref<1x128xi32, #tpu.memory_space<vmem>> -> memref<128xi32, #tpu.memory_space<vmem>>
    %dma_start3A_108 = arith.constant 0 : i32
    %dma_start3A_109 = arith.constant 0 : i32
    %dma_start3A_110 = tpu.memref_slice %arg2[%dma_start3A_108, %dma_start3A_109] : memref<1024x128xf32, #tpu.memory_space<hbm>> -> memref<1024x128xf32, #tpu.memory_space<hbm>>
    tpu.enqueue_indirect_dma source(%dma_start3A_110 : memref<1024x128xf32, #tpu.memory_space<hbm>>) target(%arg7 : memref<128x128xf32, #tpu.memory_space<vmem>>) offsets(%dma_start3A_107 : memref<128xi32, #tpu.memory_space<vmem>>) semaphore(%arg9 : memref<!tpu.dma_semaphore, #tpu.memory_space<semaphore_mem>>)
    %dma_wait3A_111 = arith.constant 6 : i32
    %dma_wait3A_112 = arith.constant 0 : i32
    %dma_wait3A_113 = tpu.memref_slice %arg5[%dma_wait3A_111, %dma_wait3A_112] : memref<9x128xi32, #tpu.memory_space<vmem>> -> memref<1x128xi32, #tpu.memory_space<vmem>>
    %dma_wait3A_114 = tpu.memref_squeeze %dma_wait3A_113 : memref<1x128xi32, #tpu.memory_space<vmem>> -> memref<128xi32, #tpu.memory_space<vmem>>
    %dma_wait3A_115 = arith.constant 0 : i32
    %dma_wait3A_116 = arith.constant 0 : i32
    %dma_wait3A_117 = tpu.memref_slice %arg2[%dma_wait3A_115, %dma_wait3A_116] : memref<1024x128xf32, #tpu.memory_space<hbm>> -> memref<1024x128xf32, #tpu.memory_space<hbm>>
    tpu.wait_indirect_dma semaphore(%arg8 : memref<!tpu.dma_semaphore, #tpu.memory_space<semaphore_mem>>) src(%dma_wait3A_117 : memref<1024x128xf32, #tpu.memory_space<hbm>>) dst(%arg6 : memref<128x128xf32, #tpu.memory_space<vmem>>)
    %add3A_118 = arith.constant 768 : i32
    %add3A_119 = arith.addi %mul3A_2, %add3A_118 : i32
    "tpu.region"() ({
      %run_scoped3A = tpu.sem_alloc : memref<!tpu.dma_semaphore, #tpu.memory_space<semaphore_mem>>
      %dma_start3A_145 = arith.constant 0 : i32
      %dma_start3A_146 = tpu.memref_slice %arg4[%add3A_119, %dma_start3A_145] : memref<36864x128xf32, #tpu.memory_space<hbm>> -> memref<128x128xf32, #tpu.memory_space<hbm>>
      %dma_start3A_147 = arith.constant 0 : i32
      %dma_start3A_148 = tpu.memref_slice %arg4[%add3A_119, %dma_start3A_147] : memref<36864x128xf32, #tpu.memory_space<hbm>> -> memref<128x128xf32, #tpu.memory_space<hbm>>
      tpu.enqueue_dma source(%arg6 : memref<128x128xf32, #tpu.memory_space<vmem>>) target(%dma_start3A_148 : memref<128x128xf32, #tpu.memory_space<hbm>>) target_semaphore(%run_scoped3A : memref<!tpu.dma_semaphore, #tpu.memory_space<semaphore_mem>>)
      %dma_wait3A_149 = arith.constant 0 : i32
      %dma_wait3A_150 = tpu.memref_slice %arg4[%add3A_119, %dma_wait3A_149] : memref<36864x128xf32, #tpu.memory_space<hbm>> -> memref<128x128xf32, #tpu.memory_space<hbm>>
      %dma_wait3A_151 = arith.constant 0 : i32
      %dma_wait3A_152 = tpu.memref_slice %arg4[%add3A_119, %dma_wait3A_151] : memref<36864x128xf32, #tpu.memory_space<hbm>> -> memref<128x128xf32, #tpu.memory_space<hbm>>
      tpu.wait_dma2 semaphore(%run_scoped3A : memref<!tpu.dma_semaphore, #tpu.memory_space<semaphore_mem>>) src(%arg6 : memref<128x128xf32, #tpu.memory_space<vmem>>) dst(%dma_wait3A_152 : memref<128x128xf32, #tpu.memory_space<hbm>>)
      tpu.yield
    }) : () -> ()
    %dma_start3A_120 = arith.constant 8 : i32
    %dma_start3A_121 = arith.constant 0 : i32
    %dma_start3A_122 = tpu.memref_slice %arg5[%dma_start3A_120, %dma_start3A_121] : memref<9x128xi32, #tpu.memory_space<vmem>> -> memref<1x128xi32, #tpu.memory_space<vmem>>
    %dma_start3A_123 = tpu.memref_squeeze %dma_start3A_122 : memref<1x128xi32, #tpu.memory_space<vmem>> -> memref<128xi32, #tpu.memory_space<vmem>>
    %dma_start3A_124 = arith.constant 0 : i32
    %dma_start3A_125 = arith.constant 0 : i32
    %dma_start3A_126 = tpu.memref_slice %arg2[%dma_start3A_124, %dma_start3A_125] : memref<1024x128xf32, #tpu.memory_space<hbm>> -> memref<1024x128xf32, #tpu.memory_space<hbm>>
    tpu.enqueue_indirect_dma source(%dma_start3A_126 : memref<1024x128xf32, #tpu.memory_space<hbm>>) target(%arg6 : memref<128x128xf32, #tpu.memory_space<vmem>>) offsets(%dma_start3A_123 : memref<128xi32, #tpu.memory_space<vmem>>) semaphore(%arg8 : memref<!tpu.dma_semaphore, #tpu.memory_space<semaphore_mem>>)
    %dma_wait3A_127 = arith.constant 7 : i32
    %dma_wait3A_128 = arith.constant 0 : i32
    %dma_wait3A_129 = tpu.memref_slice %arg5[%dma_wait3A_127, %dma_wait3A_128] : memref<9x128xi32, #tpu.memory_space<vmem>> -> memref<1x128xi32, #tpu.memory_space<vmem>>
    %dma_wait3A_130 = tpu.memref_squeeze %dma_wait3A_129 : memref<1x128xi32, #tpu.memory_space<vmem>> -> memref<128xi32, #tpu.memory_space<vmem>>
    %dma_wait3A_131 = arith.constant 0 : i32
    %dma_wait3A_132 = arith.constant 0 : i32
    %dma_wait3A_133 = tpu.memref_slice %arg2[%dma_wait3A_131, %dma_wait3A_132] : memref<1024x128xf32, #tpu.memory_space<hbm>> -> memref<1024x128xf32, #tpu.memory_space<hbm>>
    tpu.wait_indirect_dma semaphore(%arg9 : memref<!tpu.dma_semaphore, #tpu.memory_space<semaphore_mem>>) src(%dma_wait3A_133 : memref<1024x128xf32, #tpu.memory_space<hbm>>) dst(%arg7 : memref<128x128xf32, #tpu.memory_space<vmem>>)
    %add3A_134 = arith.constant 896 : i32
    %add3A_135 = arith.addi %mul3A_2, %add3A_134 : i32
    "tpu.region"() ({
      %run_scoped3A = tpu.sem_alloc : memref<!tpu.dma_semaphore, #tpu.memory_space<semaphore_mem>>
      %dma_start3A_145 = arith.constant 0 : i32
      %dma_start3A_146 = tpu.memref_slice %arg4[%add3A_135, %dma_start3A_145] : memref<36864x128xf32, #tpu.memory_space<hbm>> -> memref<128x128xf32, #tpu.memory_space<hbm>>
      %dma_start3A_147 = arith.constant 0 : i32
      %dma_start3A_148 = tpu.memref_slice %arg4[%add3A_135, %dma_start3A_147] : memref<36864x128xf32, #tpu.memory_space<hbm>> -> memref<128x128xf32, #tpu.memory_space<hbm>>
      tpu.enqueue_dma source(%arg7 : memref<128x128xf32, #tpu.memory_space<vmem>>) target(%dma_start3A_148 : memref<128x128xf32, #tpu.memory_space<hbm>>) target_semaphore(%run_scoped3A : memref<!tpu.dma_semaphore, #tpu.memory_space<semaphore_mem>>)
      %dma_wait3A_149 = arith.constant 0 : i32
      %dma_wait3A_150 = tpu.memref_slice %arg4[%add3A_135, %dma_wait3A_149] : memref<36864x128xf32, #tpu.memory_space<hbm>> -> memref<128x128xf32, #tpu.memory_space<hbm>>
      %dma_wait3A_151 = arith.constant 0 : i32
      %dma_wait3A_152 = tpu.memref_slice %arg4[%add3A_135, %dma_wait3A_151] : memref<36864x128xf32, #tpu.memory_space<hbm>> -> memref<128x128xf32, #tpu.memory_space<hbm>>
      tpu.wait_dma2 semaphore(%run_scoped3A : memref<!tpu.dma_semaphore, #tpu.memory_space<semaphore_mem>>) src(%arg7 : memref<128x128xf32, #tpu.memory_space<vmem>>) dst(%dma_wait3A_152 : memref<128x128xf32, #tpu.memory_space<hbm>>)
      tpu.yield
    }) : () -> ()
    %dma_wait3A_136 = arith.constant 8 : i32
    %dma_wait3A_137 = arith.constant 0 : i32
    %dma_wait3A_138 = tpu.memref_slice %arg5[%dma_wait3A_136, %dma_wait3A_137] : memref<9x128xi32, #tpu.memory_space<vmem>> -> memref<1x128xi32, #tpu.memory_space<vmem>>
    %dma_wait3A_139 = tpu.memref_squeeze %dma_wait3A_138 : memref<1x128xi32, #tpu.memory_space<vmem>> -> memref<128xi32, #tpu.memory_space<vmem>>
    %dma_wait3A_140 = arith.constant 0 : i32
    %dma_wait3A_141 = arith.constant 0 : i32
    %dma_wait3A_142 = tpu.memref_slice %arg2[%dma_wait3A_140, %dma_wait3A_141] : memref<1024x128xf32, #tpu.memory_space<hbm>> -> memref<1024x128xf32, #tpu.memory_space<hbm>>
    tpu.wait_indirect_dma semaphore(%arg8 : memref<!tpu.dma_semaphore, #tpu.memory_space<semaphore_mem>>) src(%dma_wait3A_142 : memref<1024x128xf32, #tpu.memory_space<hbm>>) dst(%arg6 : memref<128x128xf32, #tpu.memory_space<vmem>>)
    %add3A_143 = arith.constant 1024 : i32
    %add3A_144 = arith.addi %mul3A_2, %add3A_143 : i32
    "tpu.region"() ({
      %run_scoped3A = tpu.sem_alloc : memref<!tpu.dma_semaphore, #tpu.memory_space<semaphore_mem>>
      %dma_start3A_145 = arith.constant 0 : i32
      %dma_start3A_146 = tpu.memref_slice %arg4[%add3A_144, %dma_start3A_145] : memref<36864x128xf32, #tpu.memory_space<hbm>> -> memref<128x128xf32, #tpu.memory_space<hbm>>
      %dma_start3A_147 = arith.constant 0 : i32
      %dma_start3A_148 = tpu.memref_slice %arg4[%add3A_144, %dma_start3A_147] : memref<36864x128xf32, #tpu.memory_space<hbm>> -> memref<128x128xf32, #tpu.memory_space<hbm>>
      tpu.enqueue_dma source(%arg6 : memref<128x128xf32, #tpu.memory_space<vmem>>) target(%dma_start3A_148 : memref<128x128xf32, #tpu.memory_space<hbm>>) target_semaphore(%run_scoped3A : memref<!tpu.dma_semaphore, #tpu.memory_space<semaphore_mem>>)
      %dma_wait3A_149 = arith.constant 0 : i32
      %dma_wait3A_150 = tpu.memref_slice %arg4[%add3A_144, %dma_wait3A_149] : memref<36864x128xf32, #tpu.memory_space<hbm>> -> memref<128x128xf32, #tpu.memory_space<hbm>>
      %dma_wait3A_151 = arith.constant 0 : i32
      %dma_wait3A_152 = tpu.memref_slice %arg4[%add3A_144, %dma_wait3A_151] : memref<36864x128xf32, #tpu.memory_space<hbm>> -> memref<128x128xf32, #tpu.memory_space<hbm>>
      tpu.wait_dma2 semaphore(%run_scoped3A : memref<!tpu.dma_semaphore, #tpu.memory_space<semaphore_mem>>) src(%arg6 : memref<128x128xf32, #tpu.memory_space<vmem>>) dst(%dma_wait3A_152 : memref<128x128xf32, #tpu.memory_space<hbm>>)
      tpu.yield
    }) : () -> ()
    return
  }
}

#map = affine_map<(d0, d1) -> (0, 0)>
#map1 = affine_map<(d0, d1) -> (0, 0, 0)>
module attributes {stable_mosaic.version = 14 : i64} {
  func.func @k(%arg0: i32, %arg1: i32, %arg2: memref<1024x128xf32, #tpu.memory_space<hbm>>, %arg3: memref<32x9x128xi32, #tpu.memory_space<hbm>>, %arg4: memref<36864x128xf32, #tpu.memory_space<hbm>>, %arg5: memref<9x128xi32, #tpu.memory_space<vmem>>, %arg6: memref<128x128xf32, #tpu.memory_space<vmem>>, %arg7: memref<128x128xf32, #tpu.memory_space<vmem>>, %arg8: memref<!tpu.dma_semaphore, #tpu.memory_space<semaphore_mem>>, %arg9: memref<!tpu.dma_semaphore, #tpu.memory_space<semaphore_mem>>) attributes {dimension_semantics = [#tpu.dimension_semantics<core_parallel>, #tpu.dimension_semantics<subcore_parallel>], iteration_bounds = array<i64: 2, 16>, scalar_prefetch = 0 : i64, scratch_operands = 5 : i64, tpu.core_type = #tpu.core_type<sc_vector_subcore>, window_params = [{transform_indices = #map}, {transform_indices = #map1}, {transform_indices = #map}]} {
    %mul3A = arith.constant 2 : i32
    %mul3A_0 = arith.muli %arg1, %mul3A : i32
    %add3A = arith.addi %mul3A_0, %arg0 : i32
    %mul3A_1 = arith.constant 1152 : i32
    %mul3A_2 = arith.muli %add3A, %mul3A_1 : i32
    "tpu.region"() ({
      %run_scoped3A = tpu.sem_alloc : memref<!tpu.dma_semaphore, #tpu.memory_space<semaphore_mem>>
      %dma_start3A_145 = arith.constant 0 : i32
      %dma_start3A_146 = arith.constant 0 : i32
      %dma_start3A_147 = tpu.memref_slice %arg3[%add3A, %dma_start3A_145, %dma_start3A_146] : memref<32x9x128xi32, #tpu.memory_space<hbm>> -> memref<1x9x128xi32, #tpu.memory_space<hbm>>
      %dma_start3A_148 = tpu.memref_squeeze %dma_start3A_147 : memref<1x9x128xi32, #tpu.memory_space<hbm>> -> memref<9x128xi32, #tpu.memory_space<hbm>>
      %dma_start3A_149 = arith.constant 0 : i32
      %dma_start3A_150 = arith.constant 0 : i32
      %dma_start3A_151 = tpu.memref_slice %arg3[%add3A, %dma_start3A_149, %dma_start3A_150] : memref<32x9x128xi32, #tpu.memory_space<hbm>> -> memref<1x9x128xi32, #tpu.memory_space<hbm>>
      %dma_start3A_152 = tpu.memref_squeeze %dma_start3A_151 : memref<1x9x128xi32, #tpu.memory_space<hbm>> -> memref<9x128xi32, #tpu.memory_space<hbm>>
      tpu.enqueue_dma source(%dma_start3A_152 : memref<9x128xi32, #tpu.memory_space<hbm>>) target(%arg5 : memref<9x128xi32, #tpu.memory_space<vmem>>) target_semaphore(%run_scoped3A : memref<!tpu.dma_semaphore, #tpu.memory_space<semaphore_mem>>)
      %dma_wait3A_153 = arith.constant 0 : i32
      %dma_wait3A_154 = arith.constant 0 : i32
      %dma_wait3A_155 = tpu.memref_slice %arg3[%add3A, %dma_wait3A_153, %dma_wait3A_154] : memref<32x9x128xi32, #tpu.memory_space<hbm>> -> memref<1x9x128xi32, #tpu.memory_space<hbm>>
      %dma_wait3A_156 = tpu.memref_squeeze %dma_wait3A_155 : memref<1x9x128xi32, #tpu.memory_space<hbm>> -> memref<9x128xi32, #tpu.memory_space<hbm>>
      %dma_wait3A_157 = arith.constant 0 : i32
      %dma_wait3A_158 = arith.constant 0 : i32
      %dma_wait3A_159 = tpu.memref_slice %arg3[%add3A, %dma_wait3A_157, %dma_wait3A_158] : memref<32x9x128xi32, #tpu.memory_space<hbm>> -> memref<1x9x128xi32, #tpu.memory_space<hbm>>
      %dma_wait3A_160 = tpu.memref_squeeze %dma_wait3A_159 : memref<1x9x128xi32, #tpu.memory_space<hbm>> -> memref<9x128xi32, #tpu.memory_space<hbm>>
      tpu.wait_dma2 semaphore(%run_scoped3A : memref<!tpu.dma_semaphore, #tpu.memory_space<semaphore_mem>>) src(%dma_wait3A_160 : memref<9x128xi32, #tpu.memory_space<hbm>>) dst(%arg5 : memref<9x128xi32, #tpu.memory_space<vmem>>)
      tpu.yield
    }) : () -> ()
    %dma_start3A = arith.constant 0 : i32
    %dma_start3A_3 = arith.constant 0 : i32
    %dma_start3A_4 = tpu.memref_slice %arg5[%dma_start3A, %dma_start3A_3] : memref<9x128xi32, #tpu.memory_space<vmem>> -> memref<1x128xi32, #tpu.memory_space<vmem>>
    %dma_start3A_5 = tpu.memref_squeeze %dma_start3A_4 : memref<1x128xi32, #tpu.memory_space<vmem>> -> memref<128xi32, #tpu.memory_space<vmem>>
    %dma_start3A_6 = arith.constant 0 : i32
    %dma_start3A_7 = arith.constant 0 : i32
    %dma_start3A_8 = tpu.memref_slice %arg2[%dma_start3A_6, %dma_start3A_7] : memref<1024x128xf32, #tpu.memory_space<hbm>> -> memref<1024x128xf32, #tpu.memory_space<hbm>>
    tpu.enqueue_indirect_dma source(%dma_start3A_8 : memref<1024x128xf32, #tpu.memory_space<hbm>>) target(%arg6 : memref<128x128xf32, #tpu.memory_space<vmem>>) offsets(%dma_start3A_5 : memref<128xi32, #tpu.memory_space<vmem>>) semaphore(%arg8 : memref<!tpu.dma_semaphore, #tpu.memory_space<semaphore_mem>>)
    %dma_start3A_9 = arith.constant 1 : i32
    %dma_start3A_10 = arith.constant 0 : i32
    %dma_start3A_11 = tpu.memref_slice %arg5[%dma_start3A_9, %dma_start3A_10] : memref<9x128xi32, #tpu.memory_space<vmem>> -> memref<1x128xi32, #tpu.memory_space<vmem>>
    %dma_start3A_12 = tpu.memref_squeeze %dma_start3A_11 : memref<1x128xi32, #tpu.memory_space<vmem>> -> memref<128xi32, #tpu.memory_space<vmem>>
    %dma_start3A_13 = arith.constant 0 : i32
    %dma_start3A_14 = arith.constant 0 : i32
    %dma_start3A_15 = tpu.memref_slice %arg2[%dma_start3A_13, %dma_start3A_14] : memref<1024x128xf32, #tpu.memory_space<hbm>> -> memref<1024x128xf32, #tpu.memory_space<hbm>>
    tpu.enqueue_indirect_dma source(%dma_start3A_15 : memref<1024x128xf32, #tpu.memory_space<hbm>>) target(%arg7 : memref<128x128xf32, #tpu.memory_space<vmem>>) offsets(%dma_start3A_12 : memref<128xi32, #tpu.memory_space<vmem>>) semaphore(%arg9 : memref<!tpu.dma_semaphore, #tpu.memory_space<semaphore_mem>>)
    %dma_wait3A = arith.constant 0 : i32
    %dma_wait3A_16 = arith.constant 0 : i32
    %dma_wait3A_17 = tpu.memref_slice %arg5[%dma_wait3A, %dma_wait3A_16] : memref<9x128xi32, #tpu.memory_space<vmem>> -> memref<1x128xi32, #tpu.memory_space<vmem>>
    %dma_wait3A_18 = tpu.memref_squeeze %dma_wait3A_17 : memref<1x128xi32, #tpu.memory_space<vmem>> -> memref<128xi32, #tpu.memory_space<vmem>>
    %dma_wait3A_19 = arith.constant 0 : i32
    %dma_wait3A_20 = arith.constant 0 : i32
    %dma_wait3A_21 = tpu.memref_slice %arg2[%dma_wait3A_19, %dma_wait3A_20] : memref<1024x128xf32, #tpu.memory_space<hbm>> -> memref<1024x128xf32, #tpu.memory_space<hbm>>
    tpu.wait_indirect_dma semaphore(%arg8 : memref<!tpu.dma_semaphore, #tpu.memory_space<semaphore_mem>>) src(%dma_wait3A_21 : memref<1024x128xf32, #tpu.memory_space<hbm>>) dst(%arg6 : memref<128x128xf32, #tpu.memory_space<vmem>>)
    %add3A_22 = arith.constant 0 : i32
    %add3A_23 = arith.addi %mul3A_2, %add3A_22 : i32
    "tpu.region"() ({
      %run_scoped3A = tpu.sem_alloc : memref<!tpu.dma_semaphore, #tpu.memory_space<semaphore_mem>>
      %dma_start3A_145 = arith.constant 0 : i32
      %dma_start3A_146 = tpu.memref_slice %arg4[%add3A_23, %dma_start3A_145] : memref<36864x128xf32, #tpu.memory_space<hbm>> -> memref<128x128xf32, #tpu.memory_space<hbm>>
      %dma_start3A_147 = arith.constant 0 : i32
      %dma_start3A_148 = tpu.memref_slice %arg4[%add3A_23, %dma_start3A_147] : memref<36864x128xf32, #tpu.memory_space<hbm>> -> memref<128x128xf32, #tpu.memory_space<hbm>>
      tpu.enqueue_dma source(%arg6 : memref<128x128xf32, #tpu.memory_space<vmem>>) target(%dma_start3A_148 : memref<128x128xf32, #tpu.memory_space<hbm>>) target_semaphore(%run_scoped3A : memref<!tpu.dma_semaphore, #tpu.memory_space<semaphore_mem>>)
      %dma_wait3A_149 = arith.constant 0 : i32
      %dma_wait3A_150 = tpu.memref_slice %arg4[%add3A_23, %dma_wait3A_149] : memref<36864x128xf32, #tpu.memory_space<hbm>> -> memref<128x128xf32, #tpu.memory_space<hbm>>
      %dma_wait3A_151 = arith.constant 0 : i32
      %dma_wait3A_152 = tpu.memref_slice %arg4[%add3A_23, %dma_wait3A_151] : memref<36864x128xf32, #tpu.memory_space<hbm>> -> memref<128x128xf32, #tpu.memory_space<hbm>>
      tpu.wait_dma2 semaphore(%run_scoped3A : memref<!tpu.dma_semaphore, #tpu.memory_space<semaphore_mem>>) src(%arg6 : memref<128x128xf32, #tpu.memory_space<vmem>>) dst(%dma_wait3A_152 : memref<128x128xf32, #tpu.memory_space<hbm>>)
      tpu.yield
    }) : () -> ()
    %dma_start3A_24 = arith.constant 2 : i32
    %dma_start3A_25 = arith.constant 0 : i32
    %dma_start3A_26 = tpu.memref_slice %arg5[%dma_start3A_24, %dma_start3A_25] : memref<9x128xi32, #tpu.memory_space<vmem>> -> memref<1x128xi32, #tpu.memory_space<vmem>>
    %dma_start3A_27 = tpu.memref_squeeze %dma_start3A_26 : memref<1x128xi32, #tpu.memory_space<vmem>> -> memref<128xi32, #tpu.memory_space<vmem>>
    %dma_start3A_28 = arith.constant 0 : i32
    %dma_start3A_29 = arith.constant 0 : i32
    %dma_start3A_30 = tpu.memref_slice %arg2[%dma_start3A_28, %dma_start3A_29] : memref<1024x128xf32, #tpu.memory_space<hbm>> -> memref<1024x128xf32, #tpu.memory_space<hbm>>
    tpu.enqueue_indirect_dma source(%dma_start3A_30 : memref<1024x128xf32, #tpu.memory_space<hbm>>) target(%arg6 : memref<128x128xf32, #tpu.memory_space<vmem>>) offsets(%dma_start3A_27 : memref<128xi32, #tpu.memory_space<vmem>>) semaphore(%arg8 : memref<!tpu.dma_semaphore, #tpu.memory_space<semaphore_mem>>)
    %dma_wait3A_31 = arith.constant 1 : i32
    %dma_wait3A_32 = arith.constant 0 : i32
    %dma_wait3A_33 = tpu.memref_slice %arg5[%dma_wait3A_31, %dma_wait3A_32] : memref<9x128xi32, #tpu.memory_space<vmem>> -> memref<1x128xi32, #tpu.memory_space<vmem>>
    %dma_wait3A_34 = tpu.memref_squeeze %dma_wait3A_33 : memref<1x128xi32, #tpu.memory_space<vmem>> -> memref<128xi32, #tpu.memory_space<vmem>>
    %dma_wait3A_35 = arith.constant 0 : i32
    %dma_wait3A_36 = arith.constant 0 : i32
    %dma_wait3A_37 = tpu.memref_slice %arg2[%dma_wait3A_35, %dma_wait3A_36] : memref<1024x128xf32, #tpu.memory_space<hbm>> -> memref<1024x128xf32, #tpu.memory_space<hbm>>
    tpu.wait_indirect_dma semaphore(%arg9 : memref<!tpu.dma_semaphore, #tpu.memory_space<semaphore_mem>>) src(%dma_wait3A_37 : memref<1024x128xf32, #tpu.memory_space<hbm>>) dst(%arg7 : memref<128x128xf32, #tpu.memory_space<vmem>>)
    %add3A_38 = arith.constant 128 : i32
    %add3A_39 = arith.addi %mul3A_2, %add3A_38 : i32
    "tpu.region"() ({
      %run_scoped3A = tpu.sem_alloc : memref<!tpu.dma_semaphore, #tpu.memory_space<semaphore_mem>>
      %dma_start3A_145 = arith.constant 0 : i32
      %dma_start3A_146 = tpu.memref_slice %arg4[%add3A_39, %dma_start3A_145] : memref<36864x128xf32, #tpu.memory_space<hbm>> -> memref<128x128xf32, #tpu.memory_space<hbm>>
      %dma_start3A_147 = arith.constant 0 : i32
      %dma_start3A_148 = tpu.memref_slice %arg4[%add3A_39, %dma_start3A_147] : memref<36864x128xf32, #tpu.memory_space<hbm>> -> memref<128x128xf32, #tpu.memory_space<hbm>>
      tpu.enqueue_dma source(%arg7 : memref<128x128xf32, #tpu.memory_space<vmem>>) target(%dma_start3A_148 : memref<128x128xf32, #tpu.memory_space<hbm>>) target_semaphore(%run_scoped3A : memref<!tpu.dma_semaphore, #tpu.memory_space<semaphore_mem>>)
      %dma_wait3A_149 = arith.constant 0 : i32
      %dma_wait3A_150 = tpu.memref_slice %arg4[%add3A_39, %dma_wait3A_149] : memref<36864x128xf32, #tpu.memory_space<hbm>> -> memref<128x128xf32, #tpu.memory_space<hbm>>
      %dma_wait3A_151 = arith.constant 0 : i32
      %dma_wait3A_152 = tpu.memref_slice %arg4[%add3A_39, %dma_wait3A_151] : memref<36864x128xf32, #tpu.memory_space<hbm>> -> memref<128x128xf32, #tpu.memory_space<hbm>>
      tpu.wait_dma2 semaphore(%run_scoped3A : memref<!tpu.dma_semaphore, #tpu.memory_space<semaphore_mem>>) src(%arg7 : memref<128x128xf32, #tpu.memory_space<vmem>>) dst(%dma_wait3A_152 : memref<128x128xf32, #tpu.memory_space<hbm>>)
      tpu.yield
    }) : () -> ()
    %dma_start3A_40 = arith.constant 3 : i32
    %dma_start3A_41 = arith.constant 0 : i32
    %dma_start3A_42 = tpu.memref_slice %arg5[%dma_start3A_40, %dma_start3A_41] : memref<9x128xi32, #tpu.memory_space<vmem>> -> memref<1x128xi32, #tpu.memory_space<vmem>>
    %dma_start3A_43 = tpu.memref_squeeze %dma_start3A_42 : memref<1x128xi32, #tpu.memory_space<vmem>> -> memref<128xi32, #tpu.memory_space<vmem>>
    %dma_start3A_44 = arith.constant 0 : i32
    %dma_start3A_45 = arith.constant 0 : i32
    %dma_start3A_46 = tpu.memref_slice %arg2[%dma_start3A_44, %dma_start3A_45] : memref<1024x128xf32, #tpu.memory_space<hbm>> -> memref<1024x128xf32, #tpu.memory_space<hbm>>
    tpu.enqueue_indirect_dma source(%dma_start3A_46 : memref<1024x128xf32, #tpu.memory_space<hbm>>) target(%arg7 : memref<128x128xf32, #tpu.memory_space<vmem>>) offsets(%dma_start3A_43 : memref<128xi32, #tpu.memory_space<vmem>>) semaphore(%arg9 : memref<!tpu.dma_semaphore, #tpu.memory_space<semaphore_mem>>)
    %dma_wait3A_47 = arith.constant 2 : i32
    %dma_wait3A_48 = arith.constant 0 : i32
    %dma_wait3A_49 = tpu.memref_slice %arg5[%dma_wait3A_47, %dma_wait3A_48] : memref<9x128xi32, #tpu.memory_space<vmem>> -> memref<1x128xi32, #tpu.memory_space<vmem>>
    %dma_wait3A_50 = tpu.memref_squeeze %dma_wait3A_49 : memref<1x128xi32, #tpu.memory_space<vmem>> -> memref<128xi32, #tpu.memory_space<vmem>>
    %dma_wait3A_51 = arith.constant 0 : i32
    %dma_wait3A_52 = arith.constant 0 : i32
    %dma_wait3A_53 = tpu.memref_slice %arg2[%dma_wait3A_51, %dma_wait3A_52] : memref<1024x128xf32, #tpu.memory_space<hbm>> -> memref<1024x128xf32, #tpu.memory_space<hbm>>
    tpu.wait_indirect_dma semaphore(%arg8 : memref<!tpu.dma_semaphore, #tpu.memory_space<semaphore_mem>>) src(%dma_wait3A_53 : memref<1024x128xf32, #tpu.memory_space<hbm>>) dst(%arg6 : memref<128x128xf32, #tpu.memory_space<vmem>>)
    %add3A_54 = arith.constant 256 : i32
    %add3A_55 = arith.addi %mul3A_2, %add3A_54 : i32
    "tpu.region"() ({
      %run_scoped3A = tpu.sem_alloc : memref<!tpu.dma_semaphore, #tpu.memory_space<semaphore_mem>>
      %dma_start3A_145 = arith.constant 0 : i32
      %dma_start3A_146 = tpu.memref_slice %arg4[%add3A_55, %dma_start3A_145] : memref<36864x128xf32, #tpu.memory_space<hbm>> -> memref<128x128xf32, #tpu.memory_space<hbm>>
      %dma_start3A_147 = arith.constant 0 : i32
      %dma_start3A_148 = tpu.memref_slice %arg4[%add3A_55, %dma_start3A_147] : memref<36864x128xf32, #tpu.memory_space<hbm>> -> memref<128x128xf32, #tpu.memory_space<hbm>>
      tpu.enqueue_dma source(%arg6 : memref<128x128xf32, #tpu.memory_space<vmem>>) target(%dma_start3A_148 : memref<128x128xf32, #tpu.memory_space<hbm>>) target_semaphore(%run_scoped3A : memref<!tpu.dma_semaphore, #tpu.memory_space<semaphore_mem>>)
      %dma_wait3A_149 = arith.constant 0 : i32
      %dma_wait3A_150 = tpu.memref_slice %arg4[%add3A_55, %dma_wait3A_149] : memref<36864x128xf32, #tpu.memory_space<hbm>> -> memref<128x128xf32, #tpu.memory_space<hbm>>
      %dma_wait3A_151 = arith.constant 0 : i32
      %dma_wait3A_152 = tpu.memref_slice %arg4[%add3A_55, %dma_wait3A_151] : memref<36864x128xf32, #tpu.memory_space<hbm>> -> memref<128x128xf32, #tpu.memory_space<hbm>>
      tpu.wait_dma2 semaphore(%run_scoped3A : memref<!tpu.dma_semaphore, #tpu.memory_space<semaphore_mem>>) src(%arg6 : memref<128x128xf32, #tpu.memory_space<vmem>>) dst(%dma_wait3A_152 : memref<128x128xf32, #tpu.memory_space<hbm>>)
      tpu.yield
    }) : () -> ()
    %dma_start3A_56 = arith.constant 4 : i32
    %dma_start3A_57 = arith.constant 0 : i32
    %dma_start3A_58 = tpu.memref_slice %arg5[%dma_start3A_56, %dma_start3A_57] : memref<9x128xi32, #tpu.memory_space<vmem>> -> memref<1x128xi32, #tpu.memory_space<vmem>>
    %dma_start3A_59 = tpu.memref_squeeze %dma_start3A_58 : memref<1x128xi32, #tpu.memory_space<vmem>> -> memref<128xi32, #tpu.memory_space<vmem>>
    %dma_start3A_60 = arith.constant 0 : i32
    %dma_start3A_61 = arith.constant 0 : i32
    %dma_start3A_62 = tpu.memref_slice %arg2[%dma_start3A_60, %dma_start3A_61] : memref<1024x128xf32, #tpu.memory_space<hbm>> -> memref<1024x128xf32, #tpu.memory_space<hbm>>
    tpu.enqueue_indirect_dma source(%dma_start3A_62 : memref<1024x128xf32, #tpu.memory_space<hbm>>) target(%arg6 : memref<128x128xf32, #tpu.memory_space<vmem>>) offsets(%dma_start3A_59 : memref<128xi32, #tpu.memory_space<vmem>>) semaphore(%arg8 : memref<!tpu.dma_semaphore, #tpu.memory_space<semaphore_mem>>)
    %dma_wait3A_63 = arith.constant 3 : i32
    %dma_wait3A_64 = arith.constant 0 : i32
    %dma_wait3A_65 = tpu.memref_slice %arg5[%dma_wait3A_63, %dma_wait3A_64] : memref<9x128xi32, #tpu.memory_space<vmem>> -> memref<1x128xi32, #tpu.memory_space<vmem>>
    %dma_wait3A_66 = tpu.memref_squeeze %dma_wait3A_65 : memref<1x128xi32, #tpu.memory_space<vmem>> -> memref<128xi32, #tpu.memory_space<vmem>>
    %dma_wait3A_67 = arith.constant 0 : i32
    %dma_wait3A_68 = arith.constant 0 : i32
    %dma_wait3A_69 = tpu.memref_slice %arg2[%dma_wait3A_67, %dma_wait3A_68] : memref<1024x128xf32, #tpu.memory_space<hbm>> -> memref<1024x128xf32, #tpu.memory_space<hbm>>
    tpu.wait_indirect_dma semaphore(%arg9 : memref<!tpu.dma_semaphore, #tpu.memory_space<semaphore_mem>>) src(%dma_wait3A_69 : memref<1024x128xf32, #tpu.memory_space<hbm>>) dst(%arg7 : memref<128x128xf32, #tpu.memory_space<vmem>>)
    %add3A_70 = arith.constant 384 : i32
    %add3A_71 = arith.addi %mul3A_2, %add3A_70 : i32
    "tpu.region"() ({
      %run_scoped3A = tpu.sem_alloc : memref<!tpu.dma_semaphore, #tpu.memory_space<semaphore_mem>>
      %dma_start3A_145 = arith.constant 0 : i32
      %dma_start3A_146 = tpu.memref_slice %arg4[%add3A_71, %dma_start3A_145] : memref<36864x128xf32, #tpu.memory_space<hbm>> -> memref<128x128xf32, #tpu.memory_space<hbm>>
      %dma_start3A_147 = arith.constant 0 : i32
      %dma_start3A_148 = tpu.memref_slice %arg4[%add3A_71, %dma_start3A_147] : memref<36864x128xf32, #tpu.memory_space<hbm>> -> memref<128x128xf32, #tpu.memory_space<hbm>>
      tpu.enqueue_dma source(%arg7 : memref<128x128xf32, #tpu.memory_space<vmem>>) target(%dma_start3A_148 : memref<128x128xf32, #tpu.memory_space<hbm>>) target_semaphore(%run_scoped3A : memref<!tpu.dma_semaphore, #tpu.memory_space<semaphore_mem>>)
      %dma_wait3A_149 = arith.constant 0 : i32
      %dma_wait3A_150 = tpu.memref_slice %arg4[%add3A_71, %dma_wait3A_149] : memref<36864x128xf32, #tpu.memory_space<hbm>> -> memref<128x128xf32, #tpu.memory_space<hbm>>
      %dma_wait3A_151 = arith.constant 0 : i32
      %dma_wait3A_152 = tpu.memref_slice %arg4[%add3A_71, %dma_wait3A_151] : memref<36864x128xf32, #tpu.memory_space<hbm>> -> memref<128x128xf32, #tpu.memory_space<hbm>>
      tpu.wait_dma2 semaphore(%run_scoped3A : memref<!tpu.dma_semaphore, #tpu.memory_space<semaphore_mem>>) src(%arg7 : memref<128x128xf32, #tpu.memory_space<vmem>>) dst(%dma_wait3A_152 : memref<128x128xf32, #tpu.memory_space<hbm>>)
      tpu.yield
    }) : () -> ()
    %dma_start3A_72 = arith.constant 5 : i32
    %dma_start3A_73 = arith.constant 0 : i32
    %dma_start3A_74 = tpu.memref_slice %arg5[%dma_start3A_72, %dma_start3A_73] : memref<9x128xi32, #tpu.memory_space<vmem>> -> memref<1x128xi32, #tpu.memory_space<vmem>>
    %dma_start3A_75 = tpu.memref_squeeze %dma_start3A_74 : memref<1x128xi32, #tpu.memory_space<vmem>> -> memref<128xi32, #tpu.memory_space<vmem>>
    %dma_start3A_76 = arith.constant 0 : i32
    %dma_start3A_77 = arith.constant 0 : i32
    %dma_start3A_78 = tpu.memref_slice %arg2[%dma_start3A_76, %dma_start3A_77] : memref<1024x128xf32, #tpu.memory_space<hbm>> -> memref<1024x128xf32, #tpu.memory_space<hbm>>
    tpu.enqueue_indirect_dma source(%dma_start3A_78 : memref<1024x128xf32, #tpu.memory_space<hbm>>) target(%arg7 : memref<128x128xf32, #tpu.memory_space<vmem>>) offsets(%dma_start3A_75 : memref<128xi32, #tpu.memory_space<vmem>>) semaphore(%arg9 : memref<!tpu.dma_semaphore, #tpu.memory_space<semaphore_mem>>)
    %dma_wait3A_79 = arith.constant 4 : i32
    %dma_wait3A_80 = arith.constant 0 : i32
    %dma_wait3A_81 = tpu.memref_slice %arg5[%dma_wait3A_79, %dma_wait3A_80] : memref<9x128xi32, #tpu.memory_space<vmem>> -> memref<1x128xi32, #tpu.memory_space<vmem>>
    %dma_wait3A_82 = tpu.memref_squeeze %dma_wait3A_81 : memref<1x128xi32, #tpu.memory_space<vmem>> -> memref<128xi32, #tpu.memory_space<vmem>>
    %dma_wait3A_83 = arith.constant 0 : i32
    %dma_wait3A_84 = arith.constant 0 : i32
    %dma_wait3A_85 = tpu.memref_slice %arg2[%dma_wait3A_83, %dma_wait3A_84] : memref<1024x128xf32, #tpu.memory_space<hbm>> -> memref<1024x128xf32, #tpu.memory_space<hbm>>
    tpu.wait_indirect_dma semaphore(%arg8 : memref<!tpu.dma_semaphore, #tpu.memory_space<semaphore_mem>>) src(%dma_wait3A_85 : memref<1024x128xf32, #tpu.memory_space<hbm>>) dst(%arg6 : memref<128x128xf32, #tpu.memory_space<vmem>>)
    %add3A_86 = arith.constant 512 : i32
    %add3A_87 = arith.addi %mul3A_2, %add3A_86 : i32
    "tpu.region"() ({
      %run_scoped3A = tpu.sem_alloc : memref<!tpu.dma_semaphore, #tpu.memory_space<semaphore_mem>>
      %dma_start3A_145 = arith.constant 0 : i32
      %dma_start3A_146 = tpu.memref_slice %arg4[%add3A_87, %dma_start3A_145] : memref<36864x128xf32, #tpu.memory_space<hbm>> -> memref<128x128xf32, #tpu.memory_space<hbm>>
      %dma_start3A_147 = arith.constant 0 : i32
      %dma_start3A_148 = tpu.memref_slice %arg4[%add3A_87, %dma_start3A_147] : memref<36864x128xf32, #tpu.memory_space<hbm>> -> memref<128x128xf32, #tpu.memory_space<hbm>>
      tpu.enqueue_dma source(%arg6 : memref<128x128xf32, #tpu.memory_space<vmem>>) target(%dma_start3A_148 : memref<128x128xf32, #tpu.memory_space<hbm>>) target_semaphore(%run_scoped3A : memref<!tpu.dma_semaphore, #tpu.memory_space<semaphore_mem>>)
      %dma_wait3A_149 = arith.constant 0 : i32
      %dma_wait3A_150 = tpu.memref_slice %arg4[%add3A_87, %dma_wait3A_149] : memref<36864x128xf32, #tpu.memory_space<hbm>> -> memref<128x128xf32, #tpu.memory_space<hbm>>
      %dma_wait3A_151 = arith.constant 0 : i32
      %dma_wait3A_152 = tpu.memref_slice %arg4[%add3A_87, %dma_wait3A_151] : memref<36864x128xf32, #tpu.memory_space<hbm>> -> memref<128x128xf32, #tpu.memory_space<hbm>>
      tpu.wait_dma2 semaphore(%run_scoped3A : memref<!tpu.dma_semaphore, #tpu.memory_space<semaphore_mem>>) src(%arg6 : memref<128x128xf32, #tpu.memory_space<vmem>>) dst(%dma_wait3A_152 : memref<128x128xf32, #tpu.memory_space<hbm>>)
      tpu.yield
    }) : () -> ()
    %dma_start3A_88 = arith.constant 6 : i32
    %dma_start3A_89 = arith.constant 0 : i32
    %dma_start3A_90 = tpu.memref_slice %arg5[%dma_start3A_88, %dma_start3A_89] : memref<9x128xi32, #tpu.memory_space<vmem>> -> memref<1x128xi32, #tpu.memory_space<vmem>>
    %dma_start3A_91 = tpu.memref_squeeze %dma_start3A_90 : memref<1x128xi32, #tpu.memory_space<vmem>> -> memref<128xi32, #tpu.memory_space<vmem>>
    %dma_start3A_92 = arith.constant 0 : i32
    %dma_start3A_93 = arith.constant 0 : i32
    %dma_start3A_94 = tpu.memref_slice %arg2[%dma_start3A_92, %dma_start3A_93] : memref<1024x128xf32, #tpu.memory_space<hbm>> -> memref<1024x128xf32, #tpu.memory_space<hbm>>
    tpu.enqueue_indirect_dma source(%dma_start3A_94 : memref<1024x128xf32, #tpu.memory_space<hbm>>) target(%arg6 : memref<128x128xf32, #tpu.memory_space<vmem>>) offsets(%dma_start3A_91 : memref<128xi32, #tpu.memory_space<vmem>>) semaphore(%arg8 : memref<!tpu.dma_semaphore, #tpu.memory_space<semaphore_mem>>)
    %dma_wait3A_95 = arith.constant 5 : i32
    %dma_wait3A_96 = arith.constant 0 : i32
    %dma_wait3A_97 = tpu.memref_slice %arg5[%dma_wait3A_95, %dma_wait3A_96] : memref<9x128xi32, #tpu.memory_space<vmem>> -> memref<1x128xi32, #tpu.memory_space<vmem>>
    %dma_wait3A_98 = tpu.memref_squeeze %dma_wait3A_97 : memref<1x128xi32, #tpu.memory_space<vmem>> -> memref<128xi32, #tpu.memory_space<vmem>>
    %dma_wait3A_99 = arith.constant 0 : i32
    %dma_wait3A_100 = arith.constant 0 : i32
    %dma_wait3A_101 = tpu.memref_slice %arg2[%dma_wait3A_99, %dma_wait3A_100] : memref<1024x128xf32, #tpu.memory_space<hbm>> -> memref<1024x128xf32, #tpu.memory_space<hbm>>
    tpu.wait_indirect_dma semaphore(%arg9 : memref<!tpu.dma_semaphore, #tpu.memory_space<semaphore_mem>>) src(%dma_wait3A_101 : memref<1024x128xf32, #tpu.memory_space<hbm>>) dst(%arg7 : memref<128x128xf32, #tpu.memory_space<vmem>>)
    %add3A_102 = arith.constant 640 : i32
    %add3A_103 = arith.addi %mul3A_2, %add3A_102 : i32
    "tpu.region"() ({
      %run_scoped3A = tpu.sem_alloc : memref<!tpu.dma_semaphore, #tpu.memory_space<semaphore_mem>>
      %dma_start3A_145 = arith.constant 0 : i32
      %dma_start3A_146 = tpu.memref_slice %arg4[%add3A_103, %dma_start3A_145] : memref<36864x128xf32, #tpu.memory_space<hbm>> -> memref<128x128xf32, #tpu.memory_space<hbm>>
      %dma_start3A_147 = arith.constant 0 : i32
      %dma_start3A_148 = tpu.memref_slice %arg4[%add3A_103, %dma_start3A_147] : memref<36864x128xf32, #tpu.memory_space<hbm>> -> memref<128x128xf32, #tpu.memory_space<hbm>>
      tpu.enqueue_dma source(%arg7 : memref<128x128xf32, #tpu.memory_space<vmem>>) target(%dma_start3A_148 : memref<128x128xf32, #tpu.memory_space<hbm>>) target_semaphore(%run_scoped3A : memref<!tpu.dma_semaphore, #tpu.memory_space<semaphore_mem>>)
      %dma_wait3A_149 = arith.constant 0 : i32
      %dma_wait3A_150 = tpu.memref_slice %arg4[%add3A_103, %dma_wait3A_149] : memref<36864x128xf32, #tpu.memory_space<hbm>> -> memref<128x128xf32, #tpu.memory_space<hbm>>
      %dma_wait3A_151 = arith.constant 0 : i32
      %dma_wait3A_152 = tpu.memref_slice %arg4[%add3A_103, %dma_wait3A_151] : memref<36864x128xf32, #tpu.memory_space<hbm>> -> memref<128x128xf32, #tpu.memory_space<hbm>>
      tpu.wait_dma2 semaphore(%run_scoped3A : memref<!tpu.dma_semaphore, #tpu.memory_space<semaphore_mem>>) src(%arg7 : memref<128x128xf32, #tpu.memory_space<vmem>>) dst(%dma_wait3A_152 : memref<128x128xf32, #tpu.memory_space<hbm>>)
      tpu.yield
    }) : () -> ()
    %dma_start3A_104 = arith.constant 7 : i32
    %dma_start3A_105 = arith.constant 0 : i32
    %dma_start3A_106 = tpu.memref_slice %arg5[%dma_start3A_104, %dma_start3A_105] : memref<9x128xi32, #tpu.memory_space<vmem>> -> memref<1x128xi32, #tpu.memory_space<vmem>>
    %dma_start3A_107 = tpu.memref_squeeze %dma_start3A_106 : memref<1x128xi32, #tpu.memory_space<vmem>> -> memref<128xi32, #tpu.memory_space<vmem>>
    %dma_start3A_108 = arith.constant 0 : i32
    %dma_start3A_109 = arith.constant 0 : i32
    %dma_start3A_110 = tpu.memref_slice %arg2[%dma_start3A_108, %dma_start3A_109] : memref<1024x128xf32, #tpu.memory_space<hbm>> -> memref<1024x128xf32, #tpu.memory_space<hbm>>
    tpu.enqueue_indirect_dma source(%dma_start3A_110 : memref<1024x128xf32, #tpu.memory_space<hbm>>) target(%arg7 : memref<128x128xf32, #tpu.memory_space<vmem>>) offsets(%dma_start3A_107 : memref<128xi32, #tpu.memory_space<vmem>>) semaphore(%arg9 : memref<!tpu.dma_semaphore, #tpu.memory_space<semaphore_mem>>)
    %dma_wait3A_111 = arith.constant 6 : i32
    %dma_wait3A_112 = arith.constant 0 : i32
    %dma_wait3A_113 = tpu.memref_slice %arg5[%dma_wait3A_111, %dma_wait3A_112] : memref<9x128xi32, #tpu.memory_space<vmem>> -> memref<1x128xi32, #tpu.memory_space<vmem>>
    %dma_wait3A_114 = tpu.memref_squeeze %dma_wait3A_113 : memref<1x128xi32, #tpu.memory_space<vmem>> -> memref<128xi32, #tpu.memory_space<vmem>>
    %dma_wait3A_115 = arith.constant 0 : i32
    %dma_wait3A_116 = arith.constant 0 : i32
    %dma_wait3A_117 = tpu.memref_slice %arg2[%dma_wait3A_115, %dma_wait3A_116] : memref<1024x128xf32, #tpu.memory_space<hbm>> -> memref<1024x128xf32, #tpu.memory_space<hbm>>
    tpu.wait_indirect_dma semaphore(%arg8 : memref<!tpu.dma_semaphore, #tpu.memory_space<semaphore_mem>>) src(%dma_wait3A_117 : memref<1024x128xf32, #tpu.memory_space<hbm>>) dst(%arg6 : memref<128x128xf32, #tpu.memory_space<vmem>>)
    %add3A_118 = arith.constant 768 : i32
    %add3A_119 = arith.addi %mul3A_2, %add3A_118 : i32
    "tpu.region"() ({
      %run_scoped3A = tpu.sem_alloc : memref<!tpu.dma_semaphore, #tpu.memory_space<semaphore_mem>>
      %dma_start3A_145 = arith.constant 0 : i32
      %dma_start3A_146 = tpu.memref_slice %arg4[%add3A_119, %dma_start3A_145] : memref<36864x128xf32, #tpu.memory_space<hbm>> -> memref<128x128xf32, #tpu.memory_space<hbm>>
      %dma_start3A_147 = arith.constant 0 : i32
      %dma_start3A_148 = tpu.memref_slice %arg4[%add3A_119, %dma_start3A_147] : memref<36864x128xf32, #tpu.memory_space<hbm>> -> memref<128x128xf32, #tpu.memory_space<hbm>>
      tpu.enqueue_dma source(%arg6 : memref<128x128xf32, #tpu.memory_space<vmem>>) target(%dma_start3A_148 : memref<128x128xf32, #tpu.memory_space<hbm>>) target_semaphore(%run_scoped3A : memref<!tpu.dma_semaphore, #tpu.memory_space<semaphore_mem>>)
      %dma_wait3A_149 = arith.constant 0 : i32
      %dma_wait3A_150 = tpu.memref_slice %arg4[%add3A_119, %dma_wait3A_149] : memref<36864x128xf32, #tpu.memory_space<hbm>> -> memref<128x128xf32, #tpu.memory_space<hbm>>
      %dma_wait3A_151 = arith.constant 0 : i32
      %dma_wait3A_152 = tpu.memref_slice %arg4[%add3A_119, %dma_wait3A_151] : memref<36864x128xf32, #tpu.memory_space<hbm>> -> memref<128x128xf32, #tpu.memory_space<hbm>>
      tpu.wait_dma2 semaphore(%run_scoped3A : memref<!tpu.dma_semaphore, #tpu.memory_space<semaphore_mem>>) src(%arg6 : memref<128x128xf32, #tpu.memory_space<vmem>>) dst(%dma_wait3A_152 : memref<128x128xf32, #tpu.memory_space<hbm>>)
      tpu.yield
    }) : () -> ()
    %dma_start3A_120 = arith.constant 8 : i32
    %dma_start3A_121 = arith.constant 0 : i32
    %dma_start3A_122 = tpu.memref_slice %arg5[%dma_start3A_120, %dma_start3A_121] : memref<9x128xi32, #tpu.memory_space<vmem>> -> memref<1x128xi32, #tpu.memory_space<vmem>>
    %dma_start3A_123 = tpu.memref_squeeze %dma_start3A_122 : memref<1x128xi32, #tpu.memory_space<vmem>> -> memref<128xi32, #tpu.memory_space<vmem>>
    %dma_start3A_124 = arith.constant 0 : i32
    %dma_start3A_125 = arith.constant 0 : i32
    %dma_start3A_126 = tpu.memref_slice %arg2[%dma_start3A_124, %dma_start3A_125] : memref<1024x128xf32, #tpu.memory_space<hbm>> -> memref<1024x128xf32, #tpu.memory_space<hbm>>
    tpu.enqueue_indirect_dma source(%dma_start3A_126 : memref<1024x128xf32, #tpu.memory_space<hbm>>) target(%arg6 : memref<128x128xf32, #tpu.memory_space<vmem>>) offsets(%dma_start3A_123 : memref<128xi32, #tpu.memory_space<vmem>>) semaphore(%arg8 : memref<!tpu.dma_semaphore, #tpu.memory_space<semaphore_mem>>)
    %dma_wait3A_127 = arith.constant 7 : i32
    %dma_wait3A_128 = arith.constant 0 : i32
    %dma_wait3A_129 = tpu.memref_slice %arg5[%dma_wait3A_127, %dma_wait3A_128] : memref<9x128xi32, #tpu.memory_space<vmem>> -> memref<1x128xi32, #tpu.memory_space<vmem>>
    %dma_wait3A_130 = tpu.memref_squeeze %dma_wait3A_129 : memref<1x128xi32, #tpu.memory_space<vmem>> -> memref<128xi32, #tpu.memory_space<vmem>>
    %dma_wait3A_131 = arith.constant 0 : i32
    %dma_wait3A_132 = arith.constant 0 : i32
    %dma_wait3A_133 = tpu.memref_slice %arg2[%dma_wait3A_131, %dma_wait3A_132] : memref<1024x128xf32, #tpu.memory_space<hbm>> -> memref<1024x128xf32, #tpu.memory_space<hbm>>
    tpu.wait_indirect_dma semaphore(%arg9 : memref<!tpu.dma_semaphore, #tpu.memory_space<semaphore_mem>>) src(%dma_wait3A_133 : memref<1024x128xf32, #tpu.memory_space<hbm>>) dst(%arg7 : memref<128x128xf32, #tpu.memory_space<vmem>>)
    %add3A_134 = arith.constant 896 : i32
    %add3A_135 = arith.addi %mul3A_2, %add3A_134 : i32
    "tpu.region"() ({
      %run_scoped3A = tpu.sem_alloc : memref<!tpu.dma_semaphore, #tpu.memory_space<semaphore_mem>>
      %dma_start3A_145 = arith.constant 0 : i32
      %dma_start3A_146 = tpu.memref_slice %arg4[%add3A_135, %dma_start3A_145] : memref<36864x128xf32, #tpu.memory_space<hbm>> -> memref<128x128xf32, #tpu.memory_space<hbm>>
      %dma_start3A_147 = arith.constant 0 : i32
      %dma_start3A_148 = tpu.memref_slice %arg4[%add3A_135, %dma_start3A_147] : memref<36864x128xf32, #tpu.memory_space<hbm>> -> memref<128x128xf32, #tpu.memory_space<hbm>>
      tpu.enqueue_dma source(%arg7 : memref<128x128xf32, #tpu.memory_space<vmem>>) target(%dma_start3A_148 : memref<128x128xf32, #tpu.memory_space<hbm>>) target_semaphore(%run_scoped3A : memref<!tpu.dma_semaphore, #tpu.memory_space<semaphore_mem>>)
      %dma_wait3A_149 = arith.constant 0 : i32
      %dma_wait3A_150 = tpu.memref_slice %arg4[%add3A_135, %dma_wait3A_149] : memref<36864x128xf32, #tpu.memory_space<hbm>> -> memref<128x128xf32, #tpu.memory_space<hbm>>
      %dma_wait3A_151 = arith.constant 0 : i32
      %dma_wait3A_152 = tpu.memref_slice %arg4[%add3A_135, %dma_wait3A_151] : memref<36864x128xf32, #tpu.memory_space<hbm>> -> memref<128x128xf32, #tpu.memory_space<hbm>>
      tpu.wait_dma2 semaphore(%run_scoped3A : memref<!tpu.dma_semaphore, #tpu.memory_space<semaphore_mem>>) src(%arg7 : memref<128x128xf32, #tpu.memory_space<vmem>>) dst(%dma_wait3A_152 : memref<128x128xf32, #tpu.memory_space<hbm>>)
      tpu.yield
    }) : () -> ()
    %dma_wait3A_136 = arith.constant 8 : i32
    %dma_wait3A_137 = arith.constant 0 : i32
    %dma_wait3A_138 = tpu.memref_slice %arg5[%dma_wait3A_136, %dma_wait3A_137] : memref<9x128xi32, #tpu.memory_space<vmem>> -> memref<1x128xi32, #tpu.memory_space<vmem>>
    %dma_wait3A_139 = tpu.memref_squeeze %dma_wait3A_138 : memref<1x128xi32, #tpu.memory_space<vmem>> -> memref<128xi32, #tpu.memory_space<vmem>>
    %dma_wait3A_140 = arith.constant 0 : i32
    %dma_wait3A_141 = arith.constant 0 : i32
    %dma_wait3A_142 = tpu.memref_slice %arg2[%dma_wait3A_140, %dma_wait3A_141] : memref<1024x128xf32, #tpu.memory_space<hbm>> -> memref<1024x128xf32, #tpu.memory_space<hbm>>
    tpu.wait_indirect_dma semaphore(%arg8 : memref<!tpu.dma_semaphore, #tpu.memory_space<semaphore_mem>>) src(%dma_wait3A_142 : memref<1024x128xf32, #tpu.memory_space<hbm>>) dst(%arg6 : memref<128x128xf32, #tpu.memory_space<vmem>>)
    %add3A_143 = arith.constant 1024 : i32
    %add3A_144 = arith.addi %mul3A_2, %add3A_143 : i32
    "tpu.region"() ({
      %run_scoped3A = tpu.sem_alloc : memref<!tpu.dma_semaphore, #tpu.memory_space<semaphore_mem>>
      %dma_start3A_145 = arith.constant 0 : i32
      %dma_start3A_146 = tpu.memref_slice %arg4[%add3A_144, %dma_start3A_145] : memref<36864x128xf32, #tpu.memory_space<hbm>> -> memref<128x128xf32, #tpu.memory_space<hbm>>
      %dma_start3A_147 = arith.constant 0 : i32
      %dma_start3A_148 = tpu.memref_slice %arg4[%add3A_144, %dma_start3A_147] : memref<36864x128xf32, #tpu.memory_space<hbm>> -> memref<128x128xf32, #tpu.memory_space<hbm>>
      tpu.enqueue_dma source(%arg6 : memref<128x128xf32, #tpu.memory_space<vmem>>) target(%dma_start3A_148 : memref<128x128xf32, #tpu.memory_space<hbm>>) target_semaphore(%run_scoped3A : memref<!tpu.dma_semaphore, #tpu.memory_space<semaphore_mem>>)
      %dma_wait3A_149 = arith.constant 0 : i32
      %dma_wait3A_150 = tpu.memref_slice %arg4[%add3A_144, %dma_wait3A_149] : memref<36864x128xf32, #tpu.memory_space<hbm>> -> memref<128x128xf32, #tpu.memory_space<hbm>>
      %dma_wait3A_151 = arith.constant 0 : i32
      %dma_wait3A_152 = tpu.memref_slice %arg4[%add3A_144, %dma_wait3A_151] : memref<36864x128xf32, #tpu.memory_space<hbm>> -> memref<128x128xf32, #tpu.memory_space<hbm>>
      tpu.wait_dma2 semaphore(%run_scoped3A : memref<!tpu.dma_semaphore, #tpu.memory_space<semaphore_mem>>) src(%arg6 : memref<128x128xf32, #tpu.memory_space<vmem>>) dst(%dma_wait3A_152 : memref<128x128xf32, #tpu.memory_space<hbm>>)
      tpu.yield
    }) : () -> ()
    return
  }
}

module attributes {stable_mosaic.version = 14 : i64} {
  func.func @_bodyA(%arg0: i32, %arg1: memref<6144x64xf32, #tpu.memory_space<vmem>>, %arg2: memref<6144x1xf32, #tpu.memory_space<vmem>>, %arg3: memref<1024x64xf32, #tpu.memory_space<vmem>>, %arg4: memref<1x1024xf32, #tpu.memory_space<vmem>>, %arg5: memref<6144x1xi32, #tpu.memory_space<vmem>>) attributes {dimension_semantics = [#tpu.dimension_semantics<arbitrary>], iteration_bounds = array<i64: 6>, scalar_prefetch = 0 : i64, scratch_operands = 0 : i64, tpu.core_type = #tpu.core_type<tc>, window_params = [{transform_indices = @transform_0, window_bounds = array<i64: 6144, 64>}, {transform_indices = @transform_1, window_bounds = array<i64: 6144, 1>}, {pipeline_mode = #tpu.pipeline_mode<synchronous>, transform_indices = @transform_2, window_bounds = array<i64: 1024, 64>}, {pipeline_mode = #tpu.pipeline_mode<synchronous>, transform_indices = @transform_3, window_bounds = array<i64: 1, 1024>}, {transform_indices = @transform_4, window_bounds = array<i64: 6144, 1>}]} {
    %get3A = arith.constant 0 : index
    %get3A_0 = arith.constant 0 : index
    %get3A_1 = vector.load %arg1[%get3A, %get3A_0] : memref<6144x64xf32, #tpu.memory_space<vmem>>, vector<2048x64xf32>
    %add3A = arith.addf %get3A_1, %get3A_1 : vector<2048x64xf32>
    %get3A_2 = arith.constant 0 : index
    %get3A_3 = arith.constant 0 : index
    %get3A_4 = vector.load %arg3[%get3A_2, %get3A_3] : memref<1024x64xf32, #tpu.memory_space<vmem>>, vector<1024x64xf32>
    %dot_general3A = arith.constant dense<0.000000e+00> : vector<2048x1024xf32>
    %dot_general3A_5 = tpu.matmul %add3A, %get3A_4, %dot_general3A {dimension_numbers = #tpu.dot_dimension_numbers<[1], [1], [0], [0], [0, 0, 1, 0], [], []>, transpose_lhs_hint = false} : vector<2048x64xf32>, vector<1024x64xf32>, vector<2048x1024xf32> -> vector<2048x1024xf32>
    %get3A_6 = arith.constant 0 : index
    %get3A_7 = arith.constant 0 : index
    %get3A_8 = vector.load %arg2[%get3A_6, %get3A_7] : memref<6144x1xf32, #tpu.memory_space<vmem>>, vector<2048x1xf32>
    %get3A_9 = arith.constant 0 : index
    %get3A_10 = arith.constant 0 : index
    %get3A_11 = vector.load %arg4[%get3A_9, %get3A_10] : memref<1x1024xf32, #tpu.memory_space<vmem>>, vector<1x1024xf32>
    %iota3A = tpu.iota {dimensions = array<i32: 1>} : vector<2048x1024xi32>
    %slice3A = vector.extract_strided_slice %get3A_11 {offsets = [0, 0], sizes = [1, 512], strides = [1, 1]} : vector<1x1024xf32> to vector<1x512xf32>
    %add3A_12 = vector.broadcast %get3A_8 : vector<2048x1xf32> to vector<2048x512xf32>
    %add3A_13 = vector.broadcast %slice3A : vector<1x512xf32> to vector<2048x512xf32>
    %add3A_14 = arith.addf %add3A_12, %add3A_13 : vector<2048x512xf32>
    %slice3A_15 = vector.extract_strided_slice %dot_general3A_5 {offsets = [0, 0], sizes = [2048, 512], strides = [1, 1]} : vector<2048x1024xf32> to vector<2048x512xf32>
    %sub3A = arith.subf %add3A_14, %slice3A_15 : vector<2048x512xf32>
    %slice3A_16 = vector.extract_strided_slice %get3A_11 {offsets = [0, 512], sizes = [1, 512], strides = [1, 1]} : vector<1x1024xf32> to vector<1x512xf32>
    %add3A_17 = vector.broadcast %get3A_8 : vector<2048x1xf32> to vector<2048x512xf32>
    %add3A_18 = vector.broadcast %slice3A_16 : vector<1x512xf32> to vector<2048x512xf32>
    %add3A_19 = arith.addf %add3A_17, %add3A_18 : vector<2048x512xf32>
    %slice3A_20 = vector.extract_strided_slice %dot_general3A_5 {offsets = [0, 512], sizes = [2048, 512], strides = [1, 1]} : vector<2048x1024xf32> to vector<2048x512xf32>
    %sub3A_21 = arith.subf %add3A_19, %slice3A_20 : vector<2048x512xf32>
    %lt3A = arith.cmpf olt, %sub3A_21, %sub3A : vector<2048x512xf32>
    %min3A = arith.minimumf %sub3A, %sub3A_21 : vector<2048x512xf32>
    %slice3A_22 = vector.extract_strided_slice %iota3A {offsets = [0, 512], sizes = [2048, 512], strides = [1, 1]} : vector<2048x1024xi32> to vector<2048x512xi32>
    %slice3A_23 = vector.extract_strided_slice %iota3A {offsets = [0, 0], sizes = [2048, 512], strides = [1, 1]} : vector<2048x1024xi32> to vector<2048x512xi32>
    %select_n3A = arith.select %lt3A, %slice3A_22, %slice3A_23 : vector<2048x512xi1>, vector<2048x512xi32>
    %slice3A_24 = vector.extract_strided_slice %min3A {offsets = [0, 0], sizes = [2048, 256], strides = [1, 1]} : vector<2048x512xf32> to vector<2048x256xf32>
    %slice3A_25 = vector.extract_strided_slice %min3A {offsets = [0, 256], sizes = [2048, 256], strides = [1, 1]} : vector<2048x512xf32> to vector<2048x256xf32>
    %slice3A_26 = vector.extract_strided_slice %select_n3A {offsets = [0, 0], sizes = [2048, 256], strides = [1, 1]} : vector<2048x512xi32> to vector<2048x256xi32>
    %slice3A_27 = vector.extract_strided_slice %select_n3A {offsets = [0, 256], sizes = [2048, 256], strides = [1, 1]} : vector<2048x512xi32> to vector<2048x256xi32>
    %lt3A_28 = arith.cmpf olt, %slice3A_25, %slice3A_24 : vector<2048x256xf32>
    %min3A_29 = arith.minimumf %slice3A_24, %slice3A_25 : vector<2048x256xf32>
    %select_n3A_30 = arith.select %lt3A_28, %slice3A_27, %slice3A_26 : vector<2048x256xi1>, vector<2048x256xi32>
    %slice3A_31 = vector.extract_strided_slice %min3A_29 {offsets = [0, 0], sizes = [2048, 128], strides = [1, 1]} : vector<2048x256xf32> to vector<2048x128xf32>
    %slice3A_32 = vector.extract_strided_slice %min3A_29 {offsets = [0, 128], sizes = [2048, 128], strides = [1, 1]} : vector<2048x256xf32> to vector<2048x128xf32>
    %slice3A_33 = vector.extract_strided_slice %select_n3A_30 {offsets = [0, 0], sizes = [2048, 128], strides = [1, 1]} : vector<2048x256xi32> to vector<2048x128xi32>
    %slice3A_34 = vector.extract_strided_slice %select_n3A_30 {offsets = [0, 128], sizes = [2048, 128], strides = [1, 1]} : vector<2048x256xi32> to vector<2048x128xi32>
    %lt3A_35 = arith.cmpf olt, %slice3A_32, %slice3A_31 : vector<2048x128xf32>
    %min3A_36 = arith.minimumf %slice3A_31, %slice3A_32 : vector<2048x128xf32>
    %select_n3A_37 = arith.select %lt3A_35, %slice3A_34, %slice3A_33 : vector<2048x128xi1>, vector<2048x128xi32>
    %reduce_min3A = arith.constant dense<0x7F800000> : vector<2048xf32>
    %reduce_min3A_38 = vector.multi_reduction <minimumf>, %min3A_36, %reduce_min3A [1] : vector<2048x128xf32> to vector<2048xf32>
    %broadcast_in_dim3A = vector.shape_cast %reduce_min3A_38 : vector<2048xf32> to vector<2048x1xf32>
    %eq3A = vector.broadcast %broadcast_in_dim3A : vector<2048x1xf32> to vector<2048x128xf32>
    %eq3A_39 = arith.cmpf oeq, %min3A_36, %eq3A : vector<2048x128xf32>
    %jit3A = arith.constant 1024 : i32
    %broadcast_in_dim3A_40 = vector.broadcast %jit3A : i32 to vector<2048x128xi32>
    %select_n3A_41 = arith.select %eq3A_39, %select_n3A_37, %broadcast_in_dim3A_40 : vector<2048x128xi1>, vector<2048x128xi32>
    %reduce_min3A_42 = arith.constant dense<2147483647> : vector<2048xi32>
    %reduce_min3A_43 = vector.multi_reduction <minsi>, %select_n3A_41, %reduce_min3A_42 [1] : vector<2048x128xi32> to vector<2048xi32>
    %broadcast_in_dim3A_44 = vector.shape_cast %reduce_min3A_43 : vector<2048xi32> to vector<2048x1xi32>
    %swap3A = arith.constant 0 : index
    %swap3A_45 = arith.constant 0 : index
    %swap3A_46 = vector.load %arg5[%swap3A, %swap3A_45] : memref<6144x1xi32, #tpu.memory_space<vmem>>, vector<2048x1xi32>
    tpu.vector_store %arg5[%swap3A, %swap3A_45], %broadcast_in_dim3A_44 {strides = array<i32>} : memref<6144x1xi32, #tpu.memory_space<vmem>>, vector<2048x1xi32>,
    %get3A_47 = arith.constant 2048 : index
    %get3A_48 = arith.constant 0 : index
    %get3A_49 = vector.load %arg1[%get3A_47, %get3A_48] : memref<6144x64xf32, #tpu.memory_space<vmem>>, vector<2048x64xf32>
    %add3A_50 = arith.addf %get3A_49, %get3A_49 : vector<2048x64xf32>
    %get3A_51 = arith.constant 0 : index
    %get3A_52 = arith.constant 0 : index
    %get3A_53 = vector.load %arg3[%get3A_51, %get3A_52] : memref<1024x64xf32, #tpu.memory_space<vmem>>, vector<1024x64xf32>
    %dot_general3A_54 = arith.constant dense<0.000000e+00> : vector<2048x1024xf32>
    %dot_general3A_55 = tpu.matmul %add3A_50, %get3A_53, %dot_general3A_54 {dimension_numbers = #tpu.dot_dimension_numbers<[1], [1], [0], [0], [0, 0, 1, 0], [], []>, transpose_lhs_hint = false} : vector<2048x64xf32>, vector<1024x64xf32>, vector<2048x1024xf32> -> vector<2048x1024xf32>
    %get3A_56 = arith.constant 2048 : index
    %get3A_57 = arith.constant 0 : index
    %get3A_58 = vector.load %arg2[%get3A_56, %get3A_57] : memref<6144x1xf32, #tpu.memory_space<vmem>>, vector<2048x1xf32>
    %get3A_59 = arith.constant 0 : index
    %get3A_60 = arith.constant 0 : index
    %get3A_61 = vector.load %arg4[%get3A_59, %get3A_60] : memref<1x1024xf32, #tpu.memory_space<vmem>>, vector<1x1024xf32>
    %iota3A_62 = tpu.iota {dimensions = array<i32: 1>} : vector<2048x1024xi32>
    %slice3A_63 = vector.extract_strided_slice %get3A_61 {offsets = [0, 0], sizes = [1, 512], strides = [1, 1]} : vector<1x1024xf32> to vector<1x512xf32>
    %add3A_64 = vector.broadcast %get3A_58 : vector<2048x1xf32> to vector<2048x512xf32>
    %add3A_65 = vector.broadcast %slice3A_63 : vector<1x512xf32> to vector<2048x512xf32>
    %add3A_66 = arith.addf %add3A_64, %add3A_65 : vector<2048x512xf32>
    %slice3A_67 = vector.extract_strided_slice %dot_general3A_55 {offsets = [0, 0], sizes = [2048, 512], strides = [1, 1]} : vector<2048x1024xf32> to vector<2048x512xf32>
    %sub3A_68 = arith.subf %add3A_66, %slice3A_67 : vector<2048x512xf32>
    %slice3A_69 = vector.extract_strided_slice %get3A_61 {offsets = [0, 512], sizes = [1, 512], strides = [1, 1]} : vector<1x1024xf32> to vector<1x512xf32>
    %add3A_70 = vector.broadcast %get3A_58 : vector<2048x1xf32> to vector<2048x512xf32>
    %add3A_71 = vector.broadcast %slice3A_69 : vector<1x512xf32> to vector<2048x512xf32>
    %add3A_72 = arith.addf %add3A_70, %add3A_71 : vector<2048x512xf32>
    %slice3A_73 = vector.extract_strided_slice %dot_general3A_55 {offsets = [0, 512], sizes = [2048, 512], strides = [1, 1]} : vector<2048x1024xf32> to vector<2048x512xf32>
    %sub3A_74 = arith.subf %add3A_72, %slice3A_73 : vector<2048x512xf32>
    %lt3A_75 = arith.cmpf olt, %sub3A_74, %sub3A_68 : vector<2048x512xf32>
    %min3A_76 = arith.minimumf %sub3A_68, %sub3A_74 : vector<2048x512xf32>
    %slice3A_77 = vector.extract_strided_slice %iota3A_62 {offsets = [0, 512], sizes = [2048, 512], strides = [1, 1]} : vector<2048x1024xi32> to vector<2048x512xi32>
    %slice3A_78 = vector.extract_strided_slice %iota3A_62 {offsets = [0, 0], sizes = [2048, 512], strides = [1, 1]} : vector<2048x1024xi32> to vector<2048x512xi32>
    %select_n3A_79 = arith.select %lt3A_75, %slice3A_77, %slice3A_78 : vector<2048x512xi1>, vector<2048x512xi32>
    %slice3A_80 = vector.extract_strided_slice %min3A_76 {offsets = [0, 0], sizes = [2048, 256], strides = [1, 1]} : vector<2048x512xf32> to vector<2048x256xf32>
    %slice3A_81 = vector.extract_strided_slice %min3A_76 {offsets = [0, 256], sizes = [2048, 256], strides = [1, 1]} : vector<2048x512xf32> to vector<2048x256xf32>
    %slice3A_82 = vector.extract_strided_slice %select_n3A_79 {offsets = [0, 0], sizes = [2048, 256], strides = [1, 1]} : vector<2048x512xi32> to vector<2048x256xi32>
    %slice3A_83 = vector.extract_strided_slice %select_n3A_79 {offsets = [0, 256], sizes = [2048, 256], strides = [1, 1]} : vector<2048x512xi32> to vector<2048x256xi32>
    %lt3A_84 = arith.cmpf olt, %slice3A_81, %slice3A_80 : vector<2048x256xf32>
    %min3A_85 = arith.minimumf %slice3A_80, %slice3A_81 : vector<2048x256xf32>
    %select_n3A_86 = arith.select %lt3A_84, %slice3A_83, %slice3A_82 : vector<2048x256xi1>, vector<2048x256xi32>
    %slice3A_87 = vector.extract_strided_slice %min3A_85 {offsets = [0, 0], sizes = [2048, 128], strides = [1, 1]} : vector<2048x256xf32> to vector<2048x128xf32>
    %slice3A_88 = vector.extract_strided_slice %min3A_85 {offsets = [0, 128], sizes = [2048, 128], strides = [1, 1]} : vector<2048x256xf32> to vector<2048x128xf32>
    %slice3A_89 = vector.extract_strided_slice %select_n3A_86 {offsets = [0, 0], sizes = [2048, 128], strides = [1, 1]} : vector<2048x256xi32> to vector<2048x128xi32>
    %slice3A_90 = vector.extract_strided_slice %select_n3A_86 {offsets = [0, 128], sizes = [2048, 128], strides = [1, 1]} : vector<2048x256xi32> to vector<2048x128xi32>
    %lt3A_91 = arith.cmpf olt, %slice3A_88, %slice3A_87 : vector<2048x128xf32>
    %min3A_92 = arith.minimumf %slice3A_87, %slice3A_88 : vector<2048x128xf32>
    %select_n3A_93 = arith.select %lt3A_91, %slice3A_90, %slice3A_89 : vector<2048x128xi1>, vector<2048x128xi32>
    %reduce_min3A_94 = arith.constant dense<0x7F800000> : vector<2048xf32>
    %reduce_min3A_95 = vector.multi_reduction <minimumf>, %min3A_92, %reduce_min3A_94 [1] : vector<2048x128xf32> to vector<2048xf32>
    %broadcast_in_dim3A_96 = vector.shape_cast %reduce_min3A_95 : vector<2048xf32> to vector<2048x1xf32>
    %eq3A_97 = vector.broadcast %broadcast_in_dim3A_96 : vector<2048x1xf32> to vector<2048x128xf32>
    %eq3A_98 = arith.cmpf oeq, %min3A_92, %eq3A_97 : vector<2048x128xf32>
    %jit3A_99 = arith.constant 1024 : i32
    %broadcast_in_dim3A_100 = vector.broadcast %jit3A_99 : i32 to vector<2048x128xi32>
    %select_n3A_101 = arith.select %eq3A_98, %select_n3A_93, %broadcast_in_dim3A_100 : vector<2048x128xi1>, vector<2048x128xi32>
    %reduce_min3A_102 = arith.constant dense<2147483647> : vector<2048xi32>
    %reduce_min3A_103 = vector.multi_reduction <minsi>, %select_n3A_101, %reduce_min3A_102 [1] : vector<2048x128xi32> to vector<2048xi32>
    %broadcast_in_dim3A_104 = vector.shape_cast %reduce_min3A_103 : vector<2048xi32> to vector<2048x1xi32>
    %swap3A_105 = arith.constant 2048 : index
    %swap3A_106 = arith.constant 0 : index
    %swap3A_107 = vector.load %arg5[%swap3A_105, %swap3A_106] : memref<6144x1xi32, #tpu.memory_space<vmem>>, vector<2048x1xi32>
    tpu.vector_store %arg5[%swap3A_105, %swap3A_106], %broadcast_in_dim3A_104 {strides = array<i32>} : memref<6144x1xi32, #tpu.memory_space<vmem>>, vector<2048x1xi32>,
    %get3A_108 = arith.constant 4096 : index
    %get3A_109 = arith.constant 0 : index
    %get3A_110 = vector.load %arg1[%get3A_108, %get3A_109] : memref<6144x64xf32, #tpu.memory_space<vmem>>, vector<2048x64xf32>
    %add3A_111 = arith.addf %get3A_110, %get3A_110 : vector<2048x64xf32>
    %get3A_112 = arith.constant 0 : index
    %get3A_113 = arith.constant 0 : index
    %get3A_114 = vector.load %arg3[%get3A_112, %get3A_113] : memref<1024x64xf32, #tpu.memory_space<vmem>>, vector<1024x64xf32>
    %dot_general3A_115 = arith.constant dense<0.000000e+00> : vector<2048x1024xf32>
    %dot_general3A_116 = tpu.matmul %add3A_111, %get3A_114, %dot_general3A_115 {dimension_numbers = #tpu.dot_dimension_numbers<[1], [1], [0], [0], [0, 0, 1, 0], [], []>, transpose_lhs_hint = false} : vector<2048x64xf32>, vector<1024x64xf32>, vector<2048x1024xf32> -> vector<2048x1024xf32>
    %get3A_117 = arith.constant 4096 : index
    %get3A_118 = arith.constant 0 : index
    %get3A_119 = vector.load %arg2[%get3A_117, %get3A_118] : memref<6144x1xf32, #tpu.memory_space<vmem>>, vector<2048x1xf32>
    %get3A_120 = arith.constant 0 : index
    %get3A_121 = arith.constant 0 : index
    %get3A_122 = vector.load %arg4[%get3A_120, %get3A_121] : memref<1x1024xf32, #tpu.memory_space<vmem>>, vector<1x1024xf32>
    %iota3A_123 = tpu.iota {dimensions = array<i32: 1>} : vector<2048x1024xi32>
    %slice3A_124 = vector.extract_strided_slice %get3A_122 {offsets = [0, 0], sizes = [1, 512], strides = [1, 1]} : vector<1x1024xf32> to vector<1x512xf32>
    %add3A_125 = vector.broadcast %get3A_119 : vector<2048x1xf32> to vector<2048x512xf32>
    %add3A_126 = vector.broadcast %slice3A_124 : vector<1x512xf32> to vector<2048x512xf32>
    %add3A_127 = arith.addf %add3A_125, %add3A_126 : vector<2048x512xf32>
    %slice3A_128 = vector.extract_strided_slice %dot_general3A_116 {offsets = [0, 0], sizes = [2048, 512], strides = [1, 1]} : vector<2048x1024xf32> to vector<2048x512xf32>
    %sub3A_129 = arith.subf %add3A_127, %slice3A_128 : vector<2048x512xf32>
    %slice3A_130 = vector.extract_strided_slice %get3A_122 {offsets = [0, 512], sizes = [1, 512], strides = [1, 1]} : vector<1x1024xf32> to vector<1x512xf32>
    %add3A_131 = vector.broadcast %get3A_119 : vector<2048x1xf32> to vector<2048x512xf32>
    %add3A_132 = vector.broadcast %slice3A_130 : vector<1x512xf32> to vector<2048x512xf32>
    %add3A_133 = arith.addf %add3A_131, %add3A_132 : vector<2048x512xf32>
    %slice3A_134 = vector.extract_strided_slice %dot_general3A_116 {offsets = [0, 512], sizes = [2048, 512], strides = [1, 1]} : vector<2048x1024xf32> to vector<2048x512xf32>
    %sub3A_135 = arith.subf %add3A_133, %slice3A_134 : vector<2048x512xf32>
    %lt3A_136 = arith.cmpf olt, %sub3A_135, %sub3A_129 : vector<2048x512xf32>
    %min3A_137 = arith.minimumf %sub3A_129, %sub3A_135 : vector<2048x512xf32>
    %slice3A_138 = vector.extract_strided_slice %iota3A_123 {offsets = [0, 512], sizes = [2048, 512], strides = [1, 1]} : vector<2048x1024xi32> to vector<2048x512xi32>
    %slice3A_139 = vector.extract_strided_slice %iota3A_123 {offsets = [0, 0], sizes = [2048, 512], strides = [1, 1]} : vector<2048x1024xi32> to vector<2048x512xi32>
    %select_n3A_140 = arith.select %lt3A_136, %slice3A_138, %slice3A_139 : vector<2048x512xi1>, vector<2048x512xi32>
    %slice3A_141 = vector.extract_strided_slice %min3A_137 {offsets = [0, 0], sizes = [2048, 256], strides = [1, 1]} : vector<2048x512xf32> to vector<2048x256xf32>
    %slice3A_142 = vector.extract_strided_slice %min3A_137 {offsets = [0, 256], sizes = [2048, 256], strides = [1, 1]} : vector<2048x512xf32> to vector<2048x256xf32>
    %slice3A_143 = vector.extract_strided_slice %select_n3A_140 {offsets = [0, 0], sizes = [2048, 256], strides = [1, 1]} : vector<2048x512xi32> to vector<2048x256xi32>
    %slice3A_144 = vector.extract_strided_slice %select_n3A_140 {offsets = [0, 256], sizes = [2048, 256], strides = [1, 1]} : vector<2048x512xi32> to vector<2048x256xi32>
    %lt3A_145 = arith.cmpf olt, %slice3A_142, %slice3A_141 : vector<2048x256xf32>
    %min3A_146 = arith.minimumf %slice3A_141, %slice3A_142 : vector<2048x256xf32>
    %select_n3A_147 = arith.select %lt3A_145, %slice3A_144, %slice3A_143 : vector<2048x256xi1>, vector<2048x256xi32>
    %slice3A_148 = vector.extract_strided_slice %min3A_146 {offsets = [0, 0], sizes = [2048, 128], strides = [1, 1]} : vector<2048x256xf32> to vector<2048x128xf32>
    %slice3A_149 = vector.extract_strided_slice %min3A_146 {offsets = [0, 128], sizes = [2048, 128], strides = [1, 1]} : vector<2048x256xf32> to vector<2048x128xf32>
    %slice3A_150 = vector.extract_strided_slice %select_n3A_147 {offsets = [0, 0], sizes = [2048, 128], strides = [1, 1]} : vector<2048x256xi32> to vector<2048x128xi32>
    %slice3A_151 = vector.extract_strided_slice %select_n3A_147 {offsets = [0, 128], sizes = [2048, 128], strides = [1, 1]} : vector<2048x256xi32> to vector<2048x128xi32>
    %lt3A_152 = arith.cmpf olt, %slice3A_149, %slice3A_148 : vector<2048x128xf32>
    %min3A_153 = arith.minimumf %slice3A_148, %slice3A_149 : vector<2048x128xf32>
    %select_n3A_154 = arith.select %lt3A_152, %slice3A_151, %slice3A_150 : vector<2048x128xi1>, vector<2048x128xi32>
    %reduce_min3A_155 = arith.constant dense<0x7F800000> : vector<2048xf32>
    %reduce_min3A_156 = vector.multi_reduction <minimumf>, %min3A_153, %reduce_min3A_155 [1] : vector<2048x128xf32> to vector<2048xf32>
    %broadcast_in_dim3A_157 = vector.shape_cast %reduce_min3A_156 : vector<2048xf32> to vector<2048x1xf32>
    %eq3A_158 = vector.broadcast %broadcast_in_dim3A_157 : vector<2048x1xf32> to vector<2048x128xf32>
    %eq3A_159 = arith.cmpf oeq, %min3A_153, %eq3A_158 : vector<2048x128xf32>
    %jit3A_160 = arith.constant 1024 : i32
    %broadcast_in_dim3A_161 = vector.broadcast %jit3A_160 : i32 to vector<2048x128xi32>
    %select_n3A_162 = arith.select %eq3A_159, %select_n3A_154, %broadcast_in_dim3A_161 : vector<2048x128xi1>, vector<2048x128xi32>
    %reduce_min3A_163 = arith.constant dense<2147483647> : vector<2048xi32>
    %reduce_min3A_164 = vector.multi_reduction <minsi>, %select_n3A_162, %reduce_min3A_163 [1] : vector<2048x128xi32> to vector<2048xi32>
    %broadcast_in_dim3A_165 = vector.shape_cast %reduce_min3A_164 : vector<2048xi32> to vector<2048x1xi32>
    %swap3A_166 = arith.constant 4096 : index
    %swap3A_167 = arith.constant 0 : index
    %swap3A_168 = vector.load %arg5[%swap3A_166, %swap3A_167] : memref<6144x1xi32, #tpu.memory_space<vmem>>, vector<2048x1xi32>
    tpu.vector_store %arg5[%swap3A_166, %swap3A_167], %broadcast_in_dim3A_165 {strides = array<i32>} : memref<6144x1xi32, #tpu.memory_space<vmem>>, vector<2048x1xi32>,
    return
  }
  func.func @transform_0(%arg0: i32) -> (i32, i32) {
    %c0_i32 = arith.constant 0 : i32
    %c0_i32_0 = arith.constant 0 : i32
    return %arg0, %c0_i32 : i32, i32
  }
  func.func @transform_1(%arg0: i32) -> (i32, i32) {
    %c0_i32 = arith.constant 0 : i32
    %c0_i32_0 = arith.constant 0 : i32
    return %arg0, %c0_i32 : i32, i32
  }
  func.func @transform_2(%arg0: i32) -> (i32, i32) {
    %c0_i32 = arith.constant 0 : i32
    %c0_i32_0 = arith.constant 0 : i32
    %c0_i32_1 = arith.constant 0 : i32
    return %c0_i32, %c0_i32_0 : i32, i32
  }
  func.func @transform_3(%arg0: i32) -> (i32, i32) {
    %c0_i32 = arith.constant 0 : i32
    %c0_i32_0 = arith.constant 0 : i32
    %c0_i32_1 = arith.constant 0 : i32
    return %c0_i32, %c0_i32_0 : i32, i32
  }
  func.func @transform_4(%arg0: i32) -> (i32, i32) {
    %c0_i32 = arith.constant 0 : i32
    %c0_i32_0 = arith.constant 0 : i32
    return %arg0, %c0_i32 : i32, i32
  }
}

module attributes {stable_mosaic.version = 14 : i64} {
  func.func @_bodyC(%arg0: i32, %arg1: memref<6144x64xf32, #tpu.memory_space<vmem>>, %arg2: memref<6144x128xf32, #tpu.memory_space<vmem>>, %arg3: memref<6144x128xf32, #tpu.memory_space<vmem>>, %arg4: memref<6144x64xf32, #tpu.memory_space<vmem>>, %arg5: memref<1x1xf32, #tpu.memory_space<vmem>>, %arg6: memref<1x1xf32, #tpu.memory_space<vmem>>) attributes {dimension_semantics = [#tpu.dimension_semantics<arbitrary>], iteration_bounds = array<i64: 6>, scalar_prefetch = 0 : i64, scratch_operands = 0 : i64, tpu.core_type = #tpu.core_type<tc>, window_params = [{transform_indices = @transform_0, window_bounds = array<i64: 6144, 64>}, {transform_indices = @transform_1, window_bounds = array<i64: 6144, 128>}, {transform_indices = @transform_2, window_bounds = array<i64: 6144, 128>}, {transform_indices = @transform_3, window_bounds = array<i64: 6144, 64>}, {pipeline_mode = #tpu.pipeline_mode<synchronous>, transform_indices = @transform_4, window_bounds = array<i64: 1, 1>}, {pipeline_mode = #tpu.pipeline_mode<synchronous>, transform_indices = @transform_5, window_bounds = array<i64: 1, 1>}]} {
    %get3A = arith.constant 0 : index
    %get3A_0 = arith.constant 0 : index
    %get3A_1 = vector.load %arg1[%get3A, %get3A_0] : memref<6144x64xf32, #tpu.memory_space<vmem>>, vector<6144x64xf32>
    %get3A_2 = arith.constant 0 : index
    %get3A_3 = arith.constant 0 : index
    %get3A_4 = vector.load %arg2[%get3A_2, %get3A_3] : memref<6144x128xf32, #tpu.memory_space<vmem>>, vector<6144x64xf32>
    %get3A_5 = arith.constant 0 : index
    %get3A_6 = arith.constant 0 : index
    %get3A_7 = vector.load %arg3[%get3A_5, %get3A_6] : memref<6144x128xf32, #tpu.memory_space<vmem>>, vector<6144x64xf32>
    %sub3A = arith.subf %get3A_4, %get3A_1 : vector<6144x64xf32>
    %add3A = arith.addf %get3A_1, %sub3A : vector<6144x64xf32>
    %sub3A_8 = arith.subf %get3A_1, %add3A : vector<6144x64xf32>
    %sub3A_9 = arith.subf %get3A_7, %sub3A_8 : vector<6144x64xf32>
    %add3A_10 = arith.addf %sub3A_8, %sub3A_9 : vector<6144x64xf32>
    %add3A_11 = arith.addf %add3A, %add3A_10 : vector<6144x64xf32>
    %swap3A = arith.constant 0 : index
    %swap3A_12 = arith.constant 0 : index
    %swap3A_13 = vector.load %arg4[%swap3A, %swap3A_12] : memref<6144x64xf32, #tpu.memory_space<vmem>>, vector<6144x64xf32>
    tpu.vector_store %arg4[%swap3A, %swap3A_12], %add3A_11 {strides = array<i32>} : memref<6144x64xf32, #tpu.memory_space<vmem>>, vector<6144x64xf32>,
    %eq3A = arith.constant 0 : i32
    %eq3A_14 = arith.cmpi eq, %arg0, %eq3A : i32
    %convert_element_type3A = arith.extui %eq3A_14 : i1 to i32
    %cond3A = arith.constant 0 : i32
    %cond3A_15 = arith.cmpi ne, %convert_element_type3A, %cond3A : i32
    scf.if %cond3A_15 {
      %broadcast_in_dim3A = arith.constant 0.000000e+00 : f32
      %broadcast_in_dim3A_41 = vector.broadcast %broadcast_in_dim3A : f32 to vector<1x1xf32>
      %swap3A_42 = arith.constant 0 : index
      %swap3A_43 = arith.constant 0 : index
      %swap3A_44 = vector.load %arg5[%swap3A_42, %swap3A_43] : memref<1x1xf32, #tpu.memory_space<vmem>>, vector<1x1xf32>
      tpu.vector_store %arg5[%swap3A_42, %swap3A_43], %broadcast_in_dim3A_41 {strides = array<i32>} : memref<1x1xf32, #tpu.memory_space<vmem>>, vector<1x1xf32>,
      %broadcast_in_dim3A_45 = arith.constant 0.000000e+00 : f32
      %broadcast_in_dim3A_46 = vector.broadcast %broadcast_in_dim3A_45 : f32 to vector<1x1xf32>
      %swap3A_47 = arith.constant 0 : index
      %swap3A_48 = arith.constant 0 : index
      %swap3A_49 = vector.load %arg6[%swap3A_47, %swap3A_48] : memref<1x1xf32, #tpu.memory_space<vmem>>, vector<1x1xf32>
      tpu.vector_store %arg6[%swap3A_47, %swap3A_48], %broadcast_in_dim3A_46 {strides = array<i32>} : memref<1x1xf32, #tpu.memory_space<vmem>>, vector<1x1xf32>,
    } else {
    }
    %get3A_16 = arith.constant 0 : index
    %get3A_17 = arith.constant 0 : index
    %get3A_18 = vector.load %arg5[%get3A_16, %get3A_17] : memref<1x1xf32, #tpu.memory_space<vmem>>, vector<1x1xf32>
    %mul3A = arith.mulf %sub3A, %sub3A : vector<6144x64xf32>
    %reduce_sum3A = vector.shape_cast %mul3A : vector<6144x64xf32> to vector<1x6144x64xf32>
    %reduce_sum3A_19 = arith.constant dense<0.000000e+00> : vector<1xf32>
    %reduce_sum3A_20 = vector.multi_reduction <add>, %reduce_sum3A, %reduce_sum3A_19 [1, 2] : vector<1x6144x64xf32> to vector<1xf32>
    %reduce_sum3A_21 = vector.shape_cast %reduce_sum3A_20 : vector<1xf32> to vector<1x1x1xf32>
    %reduce_sum3A_22 = vector.extract %reduce_sum3A_21[0, 0, 0] : f32 from vector<1x1x1xf32>
    %reshape3A = vector.broadcast %reduce_sum3A_22 : f32 to vector<1x1xf32>
    %add3A_23 = arith.addf %get3A_18, %reshape3A : vector<1x1xf32>
    %swap3A_24 = arith.constant 0 : index
    %swap3A_25 = arith.constant 0 : index
    %swap3A_26 = vector.load %arg5[%swap3A_24, %swap3A_25] : memref<1x1xf32, #tpu.memory_space<vmem>>, vector<1x1xf32>
    tpu.vector_store %arg5[%swap3A_24, %swap3A_25], %add3A_23 {strides = array<i32>} : memref<1x1xf32, #tpu.memory_space<vmem>>, vector<1x1xf32>,
    %get3A_27 = arith.constant 0 : index
    %get3A_28 = arith.constant 0 : index
    %get3A_29 = vector.load %arg6[%get3A_27, %get3A_28] : memref<1x1xf32, #tpu.memory_space<vmem>>, vector<1x1xf32>
    %mul3A_30 = arith.mulf %sub3A_9, %sub3A_9 : vector<6144x64xf32>
    %reduce_sum3A_31 = vector.shape_cast %mul3A_30 : vector<6144x64xf32> to vector<1x6144x64xf32>
    %reduce_sum3A_32 = arith.constant dense<0.000000e+00> : vector<1xf32>
    %reduce_sum3A_33 = vector.multi_reduction <add>, %reduce_sum3A_31, %reduce_sum3A_32 [1, 2] : vector<1x6144x64xf32> to vector<1xf32>
    %reduce_sum3A_34 = vector.shape_cast %reduce_sum3A_33 : vector<1xf32> to vector<1x1x1xf32>
    %reduce_sum3A_35 = vector.extract %reduce_sum3A_34[0, 0, 0] : f32 from vector<1x1x1xf32>
    %reshape3A_36 = vector.broadcast %reduce_sum3A_35 : f32 to vector<1x1xf32>
    %add3A_37 = arith.addf %get3A_29, %reshape3A_36 : vector<1x1xf32>
    %swap3A_38 = arith.constant 0 : index
    %swap3A_39 = arith.constant 0 : index
    %swap3A_40 = vector.load %arg6[%swap3A_38, %swap3A_39] : memref<1x1xf32, #tpu.memory_space<vmem>>, vector<1x1xf32>
    tpu.vector_store %arg6[%swap3A_38, %swap3A_39], %add3A_37 {strides = array<i32>} : memref<1x1xf32, #tpu.memory_space<vmem>>, vector<1x1xf32>,
    return
  }
  func.func @transform_0(%arg0: i32) -> (i32, i32) {
    %c0_i32 = arith.constant 0 : i32
    %c0_i32_0 = arith.constant 0 : i32
    return %arg0, %c0_i32 : i32, i32
  }
  func.func @transform_1(%arg0: i32) -> (i32, i32) {
    %c0_i32 = arith.constant 0 : i32
    %c0_i32_0 = arith.constant 0 : i32
    return %arg0, %c0_i32 : i32, i32
  }
  func.func @transform_2(%arg0: i32) -> (i32, i32) {
    %c0_i32 = arith.constant 0 : i32
    %c0_i32_0 = arith.constant 0 : i32
    return %arg0, %c0_i32 : i32, i32
  }
  func.func @transform_3(%arg0: i32) -> (i32, i32) {
    %c0_i32 = arith.constant 0 : i32
    %c0_i32_0 = arith.constant 0 : i32
    return %arg0, %c0_i32 : i32, i32
  }
  func.func @transform_4(%arg0: i32) -> (i32, i32) {
    %c0_i32 = arith.constant 0 : i32
    %c0_i32_0 = arith.constant 0 : i32
    %c0_i32_1 = arith.constant 0 : i32
    return %c0_i32, %c0_i32_0 : i32, i32
  }
  func.func @transform_5(%arg0: i32) -> (i32, i32) {
    %c0_i32 = arith.constant 0 : i32
    %c0_i32_0 = arith.constant 0 : i32
    %c0_i32_1 = arith.constant 0 : i32
    return %c0_i32, %c0_i32_0 : i32, i32
  }
}

</mosaic_0001>

<sc_bundles>
// kernel: kernel.10.cloned.1.call-start
scs
__scs_entry_jumppad:
0x0: {  	(pc) =	sbr.rel $0x88, $3  }
0x1: {  	(tag) =	ssettag $0x0;
	lr =	simm.s32 $0x1  }
0x2: {  	[smem:$0x3F9E] =	sst lr;
	_ =	strace $0xD0000000  }
0x3: {  	_ = 	snop  }
0x4: {  	_ = 	snop  }
0x5: {  	_ = 	snop  }
0x6: {  	_ = 	snop  }
0x7: {  	_ = 	snop  }
__scs_overlays_trampoline_lowered:
0x8: {  	[smem:$0x3FAD] =	sst s0  }
0x9: {  	[smem:$0x3FAE] =	sst s1  }
0xa: {  	[smem:$0x3FAF] =	sst s2  }
0xb: {  	[smem:$0x3FB0] =	sst s3  }
0xc: {  	[smem:$0x3FB1] =	sst s4  }
0xd: {  	[smem:$0x3FB2] =	sst s5  }
0xe: {  	[smem:$0x3FB3] =	sst s6  }
0xf: {  	[smem:$0x3FB4] =	sst s7  }
0x10: {  	[smem:$0x3FB5] =	sst s8  }
0x11: {  	[smem:$0x3FB6] =	sst s9;
	s0 =	simm.s32 @!p0 $0x0  }
0x12: {  	s1 =	sld [smem:$0x3F9C];
	s0 =	simm.s32 @p0 $0x1  }
0x13: {  	[smem:$0x3FB7] =	sst s0;
	s0 =	simm.s32 @!p1 $0x0  }
0x14: {  	s2 =	sld [smem:$0x3F9B];
	s0 =	simm.s32 @p1 $0x1  }
0x15: {  	[smem:$0x3FB8] =	sst s0;
	s0 =	simm.s32 @!p2 $0x0  }
0x16: {  	s3 =	sld [smem:$0x3FDB];
	s0 =	simm.s32 @p2 $0x1  }
0x17: {  	s4 =	simm.s32 $0x1BF5;
	[smem:$0x3FBA] =	sst s0  }
0x18: {  	s0 =	sld [smem:$0x3F9D];
	_ =	swait.ge [sflag:s4], $0x0  }
0x19: {  	s7 =	sld [smem:$0x3F9E]  }
0x1a: {  	s8 =	sadd.s32 $0xFFFFE003, lr  }
0x1b: {  	s9 =	sadd.s32 $0xFFFFFEF7, lr;
	s5 =	simm.s32 $0xFFFFFFFF;
	p2 =	slt.u32 s8, $0xFFFFF086  }
0x1c: {  	p1 =	slt.u32 s9, $0xF7A;
	s5 =	simm.s32 @!p2 $0x0  }
0x1d: {  	s5 =	simm.s32 @p1 $0x1;
	p0 =	seq.s32 s7, s2  }
0x1e: {  	s7 =	smul.u32 @!p0 $0xF7A, s2;
	p2 =	seq.s32 @!p0 s5, $0x0  }
0x1f: {  	s9 =	smul.u32 $0xF7A, s1;
	s8 =	simm.s32 @!p0 $0x1BF5;
	p2 =	por !p2, p0  }
0x20: {  	[sflag:s8] =	ssyncset.s32 @!p0 $0xFFFFF086;
	s6 =	sadd.s32 @!p0 s3, s7;
	s7 =	simm.s32 @!p0 $0x108  }
0x21: {  	s3 =	sadd.s32 s3, s9;
	s6 =	sadd.s32 @!p0 $0x88, s6;
	s7 =	simm.s32 @p2 $0x1082  }
0x22: {  	[simem:s7], [sflag:s8] =	dma.local @!p0 [hbm:s6], $0xF7A  }
0x23: {  	s9 =	sor.u32 $0xD0000000, s2;
	s6 =	simm.s32 $0x108;
	_ =	swait.ge @!p0 [sflag:s8], $0x0  }
0x24: {  	s3 =	sadd.s32 $0x88, s3;
	s6 =	simm.s32 @!p1 $0x1082;
	[sflag:s4] =	ssyncset.s32 $0xFFFFF086  }
0x25: {  	[simem:s6], [sflag:s4] =	dma.local [hbm:s3], $0xF7A  }
0x26: {  	[smem:$0x3F9E] =	sst s1;
	(tag) =	ssettag s2;
	_ =	strace s9  }
0x27: {  	s1 =	sld [smem:$0x3FAE]  }
0x28: {  	s2 =	sld [smem:$0x3FAF]  }
0x29: {  	s4 =	sld [smem:$0x3FB1]  }
0x2a: {  	p0 =	seq.s32 s5, $0x0;
	s5 =	sld [smem:$0x3FB2]  }
0x2b: {  	s6 =	sld [smem:$0x3FB3]  }
0x2c: {  	s7 =	sld [smem:$0x3FB4]  }
0x2d: {  	s3 =	simm.s32 $0x108;
	s8 =	sld [smem:$0x3FB5]  }
0x2e: {  	s3 =	simm.s32 @!p0 $0x1082;
	s9 =	sld [smem:$0x3FB6]  }
0x2f: {  	lr =	sadd.s32 s0, s3;
	s0 =	sld [smem:$0x3FAD]  }
0x30: {  	s3 =	sld [smem:$0x3FB0]  }
0x31: {  	[smem:$0x3FB9] =	sst s10  }
0x32: {  	s10 =	sld [smem:$0x3FB7];
	_ =	sdelay $0x3  }
0x33: {  	p0 =	seq.s32 s10, $0x1;
	s10 =	sld [smem:$0x3FB9];
	_ =	sdelay $0x3  }
0x34: {  	[smem:$0x3FB9] =	sst s10  }
0x35: {  	s10 =	sld [smem:$0x3FB8];
	_ =	sdelay $0x3  }
0x36: {  	p1 =	seq.s32 s10, $0x1;
	s10 =	sld [smem:$0x3FB9];
	_ =	sdelay $0x3  }
0x37: {  	[smem:$0x3FB9] =	sst s10  }
0x38: {  	s10 =	sld [smem:$0x3FBA]  }
0x39: {  	_ = 	snop;
	(pc) =	sbr.ind lr, $3  }
0x3a: {  	_ = 	snop  }
0x3b: {  	_ = 	snop  }
0x3c: {  	p2 =	seq.s32 s10, $0x1;
	s10 =	sld [smem:$0x3FB9]  }
0x3d: {  	_ =	shalt  }
0x3e: {  	_ =	shalt  }
0x3f: {  	_ =	shalt  }
0x40: {  	_ =	shalt  }
0x41: {  	_ =	shalt  }
0x42: {  	_ =	shalt  }
0x43: {  	_ =	shalt  }
0x44: {  	_ =	shalt  }
0x45: {  	_ =	shalt  }
0x46: {  	_ =	shalt  }
0x47: {  	_ =	shalt  }
0x48: {  	_ =	shalt  }
0x49: {  	_ =	shalt  }
0x4a: {  	_ =	shalt  }
0x4b: {  	_ =	shalt  }
0x4c: {  	_ =	shalt  }
0x4d: {  	_ =	shalt  }
0x4e: {  	_ =	shalt  }
0x4f: {  	_ =	shalt  }
0x50: {  	_ =	shalt  }
0x51: {  	_ =	shalt  }
0x52: {  	_ =	shalt  }
0x53: {  	_ =	shalt  }
0x54: {  	_ =	shalt  }
0x55: {  	_ =	shalt  }
0x56: {  	_ =	shalt  }
0x57: {  	_ =	shalt  }
0x58: {  	_ =	shalt  }
0x59: {  	_ =	shalt  }
0x5a: {  	_ =	shalt  }
0x5b: {  	_ =	shalt  }
0x5c: {  	_ =	shalt  }
0x5d: {  	_ =	shalt  }
0x5e: {  	_ =	shalt  }
0x5f: {  	_ =	shalt  }
0x60: {  	_ =	shalt  }
0x61: {  	_ =	shalt  }
0x62: {  	_ =	shalt  }
0x63: {  	_ =	shalt  }
0x64: {  	_ =	shalt  }
0x65: {  	_ =	shalt  }
0x66: {  	_ =	shalt  }
0x67: {  	_ =	shalt  }
0x68: {  	_ =	shalt  }
0x69: {  	_ =	shalt  }
0x6a: {  	_ =	shalt  }
0x6b: {  	_ =	shalt  }
0x6c: {  	_ =	shalt  }
0x6d: {  	_ =	shalt  }
0x6e: {  	_ =	shalt  }
0x6f: {  	_ =	shalt  }
0x70: {  	_ =	shalt  }
0x71: {  	_ =	shalt  }
0x72: {  	_ =	shalt  }
0x73: {  	_ =	shalt  }
0x74: {  	_ =	shalt  }
0x75: {  	_ =	shalt  }
0x76: {  	_ =	shalt  }
0x77: {  	_ =	shalt  }
0x78: {  	_ =	shalt  }
0x79: {  	_ =	shalt  }
0x7a: {  	_ =	shalt  }
0x7b: {  	_ =	shalt  }
0x7c: {  	_ =	shalt  }
0x7d: {  	_ =	shalt  }
0x7e: {  	_ =	shalt  }
0x7f: {  	_ =	shalt  }
0x80: {  	_ =	shalt  }
0x81: {  	_ =	shalt  }
0x82: {  	_ =	shalt  }
0x83: {  	_ =	shalt  }
0x84: {  	_ =	shalt  }
0x85: {  	_ =	shalt  }
0x86: {  	_ =	shalt  }
0x87: {  	_ =	shalt  }
.Lfunc_end0:
.L_simem_size_0:
called_computation.1_lowered:
.L_overlay_start_0:
0x88: {  	s2 =	sld [smem:$0x3FD9]  }
0x89: {  	s3 =	sld [smem:$0x3FFE];
	_ =	sdelay $0x1  }
0x8a: {  	s1 =	srdreg.scid  }
0x8b: {  	s0 =	sand.u32 $0x1, s1  }
0x8c: {  	s14 =	sshll.u32 s0, $0xA;
	s2 =	sadd.s32 s3, s2  }
0x8d: {  	s2 =	sadd.s32 s2, s14  }
0x8e: {  	[smem:$0x3FC5] =	sst s2  }
0x8f: {  	_ = 	snop  }
0x90: {  	s2 =	sld [smem:$0x3FD0];
	_ =	sdelay $0x2  }
0x91: {  	s15 =	simm.s32 $0xA;
	s4 =	simm.s32 $0x10  }
0x92: {  	[smem:s4], [sflag:s15] =	dma.local [hbm:s2], $0x1  }
0x93: {  	_ =	swait.eq [sflag:s15], $0x1  }
0x94: {  	[sflag:s15] =	ssyncset.done $0x0  }
0x95: {  	[sflag:s15] =	ssyncadd.s32 $0xFFFFFFFF  }
0x96: {  	s16 =	sld [smem:$0x11];
	(tm) =	ssettm $0x1  }
0x97: {  	s17 =	sld [smem:$0x3FFB];
	_ =	sdelay $0x3  }
0x98: {  	_ =	strace s17  }
0x99: {  	s3 =	sld [smem:$0x3FFC];
	_ =	sdelay $0x3  }
0x9a: {  	_ =	strace s3  }
0x9b: {  	s3 =	sld [smem:$0x3FFD];
	_ =	sdelay $0x3  }
0x9c: {  	_ =	strace s3  }
0x9d: {  	_ =	strace $0x8FFFFFFF  }
0x9e: {  	s18 =	sld [smem:$0x3FDB];
	_ =	sdelay $0x1  }
0x9f: {  	s19 =	simm.s32 $_scs_section_size  }
0xa0: {  	s5 =	simm.s32 $_size__tile_overlayer_lowered;
	s6 =	simm.s32 $_tile_overlayer_lowered  }
0xa1: {  	s22 =	simm.s32 $0x1BFF;
	s21 =	sshll.u32 s6, $0x1;
	s3 =	sadd.s32 s19, s18  }
0xa2: {  	s7 =	simm.s32 $0x0;
	s20 =	sshll.u32 s5, $0x1;
	s5 =	sadd.s32 s21, s3  }
0xa3: {  	[timem:s7], [sflag:s22] =	dma.local [hbm:s5], s20  }
0xa4: {  	_ =	swait.ge [sflag:s22], s20  }
0xa5: {  	s4 =	ssub.s32 $0x0, s20;
	[sflag:s22] =	ssyncset.done $0x0  }
0xa6: {  	[sflag:s22] =	ssyncadd.s32 s4;
	_ =	sdelay $0x1  }
0xa7: {  	s23 =	simm.s32 $0x1B8B  }
0xa8: {  	_ =	swait.ge [sflag:s23], $0x1  }
0xa9: {  	[sflag:s23] =	ssyncset.done $0x0  }
0xaa: {  	s25 =	simm.s32 $0x1B8E;
	s24 =	sld [smem:$0x3FFE];
	[sflag:s23] =	ssyncadd.s32 $0xFFFFFFFF  }
0xab: {  	s26 =	simm.s32 $execute0_lowered;
	[smem:$0x3FD2] =	sst s25  }
0xac: {  	s5 =	sshll.u32 s26, $0x1;
	_ =	strace $0x80000049;
	[dreg:$0x1] =	wrdreg $0xFFFFFFFF  }
0xad: {  	s28 =	simm.s32 $_size_execute0_lowered;
	s3 =	sadd.s32 s3, s5;
	[dreg:$0x0] =	wrdreg $0x0  }
0xae: {  	s5 =	sshll.u32 s28, $0x1;
	[dreg:$0x2] =	wrdreg s3  }
0xaf: {  	[dreg:$0x3] =	wrdreg s5  }
0xb0: {  	[dreg:$0x4] =	wrdreg $0xC0  }
0xb1: {  	_ =	task [dreg:s7], $0x5FFFF  }
0xb2: {  	[dreg:$0x1] =	wrdreg $0xFFFFFFFF  }
0xb3: {  	[dreg:$0x0] =	wrdreg $0x60  }
0xb4: {  	[dreg:$0x2] =	wrdreg s24  }
0xb5: {  	[dreg:$0x3] =	wrdreg s16  }
0xb6: {  	[dreg:$0x4] =	wrdreg $0x9  }
0xb7: {  	_ =	task.clear_ibuf [dreg:s7], $0x5FFFF;
	_ =	strace $0x90000049  }
0xb8: {  	s29 =	simm.s32 $0x9;
	_ =	strace $0x8000004B  }
0xb9: {  	_ =	swait.ge [sflag:s29], $0x1  }
0xba: {  	[sflag:s29] =	ssyncadd.s32 $0xFFFFFFFF  }
0xbb: {  	_ =	strace $0x9000004B  }
0xbc: {  	_ =	sfence  }
0xbd: {  	s30 =	sld [smem:$0x0];
	_ =	sdelay $0x2  }
0xbe: {  	s31 =	sshll.u32 s1, $0xD;
	s1 =	sshrl.u32 s1, $0x2  }
0xbf: {  	s3 =	sand.u32 $0x4000, s31;
	s1 =	sadd.s32 s1, s30  }
0xc0: {  	s0 =	sor.u32 s3, s0;
	s1 =	sshll.u32 s1, $0x11  }
0xc1: {  	s0 =	sor.u32 s1, s0  }
0xc2: {  	s0 =	sadd.s32 $0x8F2B, s0  }
0xc3: {  	[sflag:s0] =	ssyncadd.remote.s32 $0x1  }
0xc4: {  	_ =	sfence.sel $0xFFFF  }
0xc5: {  	[dreg:$0x0] =	wrdreg $0xFFFFFFFF;
	(pc) =	sbr.abs _section_cstart, $3  }
0xc6: {  	[dreg:$0x1] =	wrdreg $0xFFFFFFFF  }
0xc7: {  	_ =	task.clear_ibuf [dreg:s7], $0x2FFFF;
	_ =	strace $0x9FFFFFFF  }
0xc8: {  	(tm) =	ssettm $0x7FFFFFFF  }
0xc9: {  	_ =	shalt  }
tec
execute0_lowered:
.L_overlay_start_1:
0x0: {  	(tag) =	ssettag $0x1  }
0x1: {  	s10 =	rddreg [dreg:$0x0]  }
0x2: {  	s1 =	srdreg.scid;
	s0 =	stileid.u32  }
0x3: {  	s3 =	rddreg [dreg:$0x1];
	s26 =	sand.u32 $0x1, s1;
	s4 =	sshll.u32 s0, $0x1  }
0x4: {  	s2 =	simm.s32 $0x0;
	s1 =	rddreg [dreg:$0x2];
	s11 =	sor.u32 s26, s4  }
0x5: {  	[smem:$0x7FF] =	sst s2;
	s4 =	sshll.u32 s11, $0x8  }
0x6: {  	_ =	strace $0x8000004A;
	s4 =	sadd.s32 s3, s4;
	s3 =	simm.s32 $0x3  }
0x7: {  	[tilespmem:s2], [sflag:$0x3] =	stream.linear.gather [hbm4b:s4+s2], $0x480, $0x38;
	[tilespmem:$0x8800] =	vst v63  }
0x8: {  	_ =	swait.ge [sflag:s3], $0x480  }
0x9: {  	s6 =	simm.s32 $0x80;
	[sflag:s3] =	ssyncset.done $0x0  }
0xa: {  	s7 =	simm.s32 $0x800;
	s5 =	sadd.s32 $0x123200, s10;
	[sflag:s3] =	ssyncadd.s32 $0xFFFFFB80  }
0xb: {  	[tilespmem:s7], [sflag:$0x1] =	stream.indirect.gather [hbm4b:s5+s6], $0x80, s2, s6, $0xb8;
	[tilespmem:$0x8800] =	vst v63  }
0xc: {  	s8 =	simm.s32 $0x4800;
	s9 =	simm.s32 $0x1  }
0xd: {  	[tilespmem:s8], [sflag:$0x2] =	stream.indirect.gather [hbm4b:s5+s6], $0x80, s6, s6, $0xb8;
	[tilespmem:$0x8800] =	vst v63  }
0xe: {  	s12 =	smul.u32 $0x4800, s11;
	_ =	swait.ge [sflag:s9], $0x4000  }
0xf: {  	s13 =	sadd.s32 $0x127200, s10;
	[sflag:s9] =	ssyncset.done $0x0  }
0x10: {  	s10 =	sadd.s32 s13, s12;
	[sflag:s9] =	ssyncadd.s32 $0xFFFFC000  }
0x11: {  	[hbm4b:s10+s2] =	stream.linear.scatter [tilespmem:s7], [sflag:$0x3], $0x4000, $0x38;
	[tilespmem:$0x8800] =	vst v63  }
0x12: {  	_ =	swait.ge [sflag:s3], $0x4000  }
0x13: {  	s14 =	smul.u32 $0x24000, s11;
	[sflag:s3] =	ssyncset.done $0x0  }
0x14: {  	s11 =	simm.s32 $0x100;
	s12 =	simm.s32 $0x2;
	[sflag:s3] =	ssyncadd.s32 $0xFFFFC000  }
0x15: {  	[tilespmem:s7], [sflag:$0x1] =	stream.indirect.gather [hbm4b:s5+s6], $0x80, s11, s6, $0xb8;
	[tilespmem:$0x8800] =	vst v63  }
0x16: {  	s14 =	sshrl.u32 s14, $0x3;
	_ =	swait.ge [sflag:s12], $0x4000  }
0x17: {  	s28 =	sadd.s32 s13, s14;
	[sflag:s12] =	ssyncset.done $0x0  }
0x18: {  	s13 =	sadd.s32 $0x800, s28;
	[sflag:s12] =	ssyncadd.s32 $0xFFFFC000  }
0x19: {  	[hbm4b:s13+s2] =	stream.linear.scatter [tilespmem:s8], [sflag:$0x3], $0x4000, $0x38;
	[tilespmem:$0x8800] =	vst v63  }
0x1a: {  	_ =	swait.ge [sflag:s3], $0x4000  }
0x1b: {  	[sflag:s3] =	ssyncset.done $0x0  }
0x1c: {  	s14 =	simm.s32 $0x180;
	[sflag:s3] =	ssyncadd.s32 $0xFFFFC000  }
0x1d: {  	[tilespmem:s8], [sflag:$0x2] =	stream.indirect.gather [hbm4b:s5+s6], $0x80, s14, s6, $0xb8;
	[tilespmem:$0x8800] =	vst v63  }
0x1e: {  	_ =	swait.ge [sflag:s9], $0x4000  }
0x1f: {  	[sflag:s9] =	ssyncset.done $0x0  }
0x20: {  	s15 =	sadd.s32 $0x1000, s28;
	[sflag:s9] =	ssyncadd.s32 $0xFFFFC000  }
0x21: {  	[hbm4b:s15+s2] =	stream.linear.scatter [tilespmem:s7], [sflag:$0x3], $0x4000, $0x38;
	[tilespmem:$0x8800] =	vst v63  }
0x22: {  	_ =	swait.ge [sflag:s3], $0x4000  }
0x23: {  	[sflag:s3] =	ssyncset.done $0x0  }
0x24: {  	s16 =	simm.s32 $0x200;
	[sflag:s3] =	ssyncadd.s32 $0xFFFFC000  }
0x25: {  	[tilespmem:s7], [sflag:$0x1] =	stream.indirect.gather [hbm4b:s5+s6], $0x80, s16, s6, $0xb8;
	[tilespmem:$0x8800] =	vst v63  }
0x26: {  	_ =	swait.ge [sflag:s12], $0x4000  }
0x27: {  	[sflag:s12] =	ssyncset.done $0x0  }
0x28: {  	s17 =	sadd.s32 $0x1800, s28;
	[sflag:s12] =	ssyncadd.s32 $0xFFFFC000  }
0x29: {  	[hbm4b:s17+s2] =	stream.linear.scatter [tilespmem:s8], [sflag:$0x3], $0x4000, $0x38;
	[tilespmem:$0x8800] =	vst v63  }
0x2a: {  	_ =	swait.ge [sflag:s3], $0x4000  }
0x2b: {  	[sflag:s3] =	ssyncset.done $0x0  }
0x2c: {  	s18 =	simm.s32 $0x280;
	[sflag:s3] =	ssyncadd.s32 $0xFFFFC000  }
0x2d: {  	[tilespmem:s8], [sflag:$0x2] =	stream.indirect.gather [hbm4b:s5+s6], $0x80, s18, s6, $0xb8;
	[tilespmem:$0x8800] =	vst v63  }
0x2e: {  	_ =	swait.ge [sflag:s9], $0x4000  }
0x2f: {  	[sflag:s9] =	ssyncset.done $0x0  }
0x30: {  	s19 =	sadd.s32 $0x2000, s28;
	[sflag:s9] =	ssyncadd.s32 $0xFFFFC000  }
0x31: {  	[hbm4b:s19+s2] =	stream.linear.scatter [tilespmem:s7], [sflag:$0x3], $0x4000, $0x38;
	[tilespmem:$0x8800] =	vst v63  }
0x32: {  	_ =	swait.ge [sflag:s3], $0x4000  }
0x33: {  	[sflag:s3] =	ssyncset.done $0x0  }
0x34: {  	s20 =	simm.s32 $0x300;
	[sflag:s3] =	ssyncadd.s32 $0xFFFFC000  }
0x35: {  	[tilespmem:s7], [sflag:$0x1] =	stream.indirect.gather [hbm4b:s5+s6], $0x80, s20, s6, $0xb8;
	[tilespmem:$0x8800] =	vst v63  }
0x36: {  	_ =	swait.ge [sflag:s12], $0x4000  }
0x37: {  	[sflag:s12] =	ssyncset.done $0x0  }
0x38: {  	s21 =	sadd.s32 $0x2800, s28;
	[sflag:s12] =	ssyncadd.s32 $0xFFFFC000  }
0x39: {  	[hbm4b:s21+s2] =	stream.linear.scatter [tilespmem:s8], [sflag:$0x3], $0x4000, $0x38;
	[tilespmem:$0x8800] =	vst v63  }
0x3a: {  	_ =	swait.ge [sflag:s3], $0x4000  }
0x3b: {  	[sflag:s3] =	ssyncset.done $0x0  }
0x3c: {  	s22 =	simm.s32 $0x380;
	[sflag:s3] =	ssyncadd.s32 $0xFFFFC000  }
0x3d: {  	[tilespmem:s8], [sflag:$0x2] =	stream.indirect.gather [hbm4b:s5+s6], $0x80, s22, s6, $0xb8;
	[tilespmem:$0x8800] =	vst v63  }
0x3e: {  	_ =	swait.ge [sflag:s9], $0x4000  }
0x3f: {  	[sflag:s9] =	ssyncset.done $0x0  }
0x40: {  	s23 =	sadd.s32 $0x3000, s28;
	[sflag:s9] =	ssyncadd.s32 $0xFFFFC000  }
0x41: {  	[hbm4b:s23+s2] =	stream.linear.scatter [tilespmem:s7], [sflag:$0x3], $0x4000, $0x38;
	[tilespmem:$0x8800] =	vst v63  }
0x42: {  	_ =	swait.ge [sflag:s3], $0x4000  }
0x43: {  	[sflag:s3] =	ssyncset.done $0x0  }
0x44: {  	s24 =	simm.s32 $0x400;
	[sflag:s3] =	ssyncadd.s32 $0xFFFFC000  }
0x45: {  	[tilespmem:s7], [sflag:$0x1] =	stream.indirect.gather [hbm4b:s5+s6], $0x80, s24, s6, $0xb8;
	[tilespmem:$0x8800] =	vst v63  }
0x46: {  	_ =	swait.ge [sflag:s12], $0x4000  }
0x47: {  	[sflag:s12] =	ssyncset.done $0x0  }
0x48: {  	s26 =	ssub.s32 $0x2, s26;
	s25 =	sadd.s32 $0x3800, s28;
	[sflag:s12] =	ssyncadd.s32 $0xFFFFC000  }
0x49: {  	[hbm4b:s25+s2] =	stream.linear.scatter [tilespmem:s8], [sflag:$0x3], $0x4000, $0x38;
	[tilespmem:$0x8800] =	vst v63  }
0x4a: {  	s29 =	sshrl.u32 s26, $0x1;
	_ =	swait.ge [sflag:s3], $0x4000  }
0x4b: {  	s29 =	ssub.s32 s26, s29;
	[sflag:s3] =	ssyncset.done $0x0  }
0x4c: {  	s26 =	sadd.s32 $0x4000, s28;
	s28 =	smax.u32 s29, $0x1;
	[sflag:s3] =	ssyncadd.s32 $0xFFFFC000  }
0x4d: {  	p0 =	sne.s32 s28, $0x1;
	_ =	swait.ge [sflag:s9], $0x4000  }
.Ltmp0:
0x4e: {  	[sflag:s9] =	ssyncset.done $0x0;
	(pc) =	sbr.rel @!p0 .LBB2_2-.Ltmp0, $4  }
0x4f: {  	[sflag:s9] =	ssyncadd.s32 $0xFFFFC000  }
0x50: {  	[hbm4b:s26+s2] =	stream.linear.scatter [tilespmem:s7], [sflag:$0x3], $0x4000, $0x38;
	[tilespmem:$0x8800] =	vst v63  }
0x51: {  	_ =	swait.ge [sflag:s3], $0x4000  }
0x52: {  	s28 =	sadd.s32 $0xFFFFFFFF, s28;
	[sflag:s3] =	ssyncset.done $0x0  }
.LBB2_1:
0x53: {  	p0 =	sne.s32 s28, $0x1;
	s28 =	sadd.s32 $0xFFFFFFFF, s28;
	[sflag:s3] =	ssyncadd.s32 $0xFFFFC000  }
0x54: {  	[tilespmem:s2], [sflag:$0x3] =	stream.linear.gather [hbm4b:s4+s2], $0x480, $0x38;
	[tilespmem:$0x8800] =	vst v63  }
0x55: {  	_ =	swait.ge [sflag:s3], $0x480  }
0x56: {  	[sflag:s3] =	ssyncset.done $0x0  }
0x57: {  	[sflag:s3] =	ssyncadd.s32 $0xFFFFFB80  }
0x58: {  	[tilespmem:s7], [sflag:$0x1] =	stream.indirect.gather [hbm4b:s5+s6], $0x80, s2, s6, $0xb8;
	[tilespmem:$0x8800] =	vst v63  }
0x59: {  	_ = 	snop  }
0x5a: {  	[tilespmem:s8], [sflag:$0x2] =	stream.indirect.gather [hbm4b:s5+s6], $0x80, s6, s6, $0xb8;
	[tilespmem:$0x8800] =	vst v63  }
0x5b: {  	_ =	swait.ge [sflag:s9], $0x4000  }
0x5c: {  	[sflag:s9] =	ssyncset.done $0x0  }
0x5d: {  	[sflag:s9] =	ssyncadd.s32 $0xFFFFC000  }
0x5e: {  	[hbm4b:s10+s2] =	stream.linear.scatter [tilespmem:s7], [sflag:$0x3], $0x4000, $0x38;
	[tilespmem:$0x8800] =	vst v63  }
0x5f: {  	_ =	swait.ge [sflag:s3], $0x4000  }
0x60: {  	[sflag:s3] =	ssyncset.done $0x0  }
0x61: {  	[sflag:s3] =	ssyncadd.s32 $0xFFFFC000  }
0x62: {  	[tilespmem:s7], [sflag:$0x1] =	stream.indirect.gather [hbm4b:s5+s6], $0x80, s11, s6, $0xb8;
	[tilespmem:$0x8800] =	vst v63  }
0x63: {  	_ =	swait.ge [sflag:s12], $0x4000  }
0x64: {  	[sflag:s12] =	ssyncset.done $0x0  }
0x65: {  	[sflag:s12] =	ssyncadd.s32 $0xFFFFC000  }
0x66: {  	[hbm4b:s13+s2] =	stream.linear.scatter [tilespmem:s8], [sflag:$0x3], $0x4000, $0x38;
	[tilespmem:$0x8800] =	vst v63  }
0x67: {  	_ =	swait.ge [sflag:s3], $0x4000  }
0x68: {  	[sflag:s3] =	ssyncset.done $0x0  }
0x69: {  	[sflag:s3] =	ssyncadd.s32 $0xFFFFC000  }
0x6a: {  	[tilespmem:s8], [sflag:$0x2] =	stream.indirect.gather [hbm4b:s5+s6], $0x80, s14, s6, $0xb8;
	[tilespmem:$0x8800] =	vst v63  }
0x6b: {  	_ =	swait.ge [sflag:s9], $0x4000  }
0x6c: {  	[sflag:s9] =	ssyncset.done $0x0  }
0x6d: {  	[sflag:s9] =	ssyncadd.s32 $0xFFFFC000  }
0x6e: {  	[hbm4b:s15+s2] =	stream.linear.scatter [tilespmem:s7], [sflag:$0x3], $0x4000, $0x38;
	[tilespmem:$0x8800] =	vst v63  }
0x6f: {  	_ =	swait.ge [sflag:s3], $0x4000  }
0x70: {  	[sflag:s3] =	ssyncset.done $0x0  }
0x71: {  	[sflag:s3] =	ssyncadd.s32 $0xFFFFC000  }
0x72: {  	[tilespmem:s7], [sflag:$0x1] =	stream.indirect.gather [hbm4b:s5+s6], $0x80, s16, s6, $0xb8;
	[tilespmem:$0x8800] =	vst v63  }
0x73: {  	_ =	swait.ge [sflag:s12], $0x4000  }
0x74: {  	[sflag:s12] =	ssyncset.done $0x0  }
0x75: {  	[sflag:s12] =	ssyncadd.s32 $0xFFFFC000  }
0x76: {  	[hbm4b:s17+s2] =	stream.linear.scatter [tilespmem:s8], [sflag:$0x3], $0x4000, $0x38;
	[tilespmem:$0x8800] =	vst v63  }
0x77: {  	_ =	swait.ge [sflag:s3], $0x4000  }
0x78: {  	[sflag:s3] =	ssyncset.done $0x0  }
0x79: {  	[sflag:s3] =	ssyncadd.s32 $0xFFFFC000  }
0x7a: {  	[tilespmem:s8], [sflag:$0x2] =	stream.indirect.gather [hbm4b:s5+s6], $0x80, s18, s6, $0xb8;
	[tilespmem:$0x8800] =	vst v63  }
0x7b: {  	_ =	swait.ge [sflag:s9], $0x4000  }
0x7c: {  	[sflag:s9] =	ssyncset.done $0x0  }
0x7d: {  	[sflag:s9] =	ssyncadd.s32 $0xFFFFC000  }
0x7e: {  	[hbm4b:s19+s2] =	stream.linear.scatter [tilespmem:s7], [sflag:$0x3], $0x4000, $0x38;
	[tilespmem:$0x8800] =	vst v63  }
0x7f: {  	_ =	swait.ge [sflag:s3], $0x4000  }
0x80: {  	[sflag:s3] =	ssyncset.done $0x0  }
0x81: {  	[sflag:s3] =	ssyncadd.s32 $0xFFFFC000  }
0x82: {  	[tilespmem:s7], [sflag:$0x1] =	stream.indirect.gather [hbm4b:s5+s6], $0x80, s20, s6, $0xb8;
	[tilespmem:$0x8800] =	vst v63  }
0x83: {  	_ =	swait.ge [sflag:s12], $0x4000  }
0x84: {  	[sflag:s12] =	ssyncset.done $0x0  }
0x85: {  	[sflag:s12] =	ssyncadd.s32 $0xFFFFC000  }
0x86: {  	[hbm4b:s21+s2] =	stream.linear.scatter [tilespmem:s8], [sflag:$0x3], $0x4000, $0x38;
	[tilespmem:$0x8800] =	vst v63  }
0x87: {  	_ =	swait.ge [sflag:s3], $0x4000  }
0x88: {  	[sflag:s3] =	ssyncset.done $0x0  }
0x89: {  	[sflag:s3] =	ssyncadd.s32 $0xFFFFC000  }
0x8a: {  	[tilespmem:s8], [sflag:$0x2] =	stream.indirect.gather [hbm4b:s5+s6], $0x80, s22, s6, $0xb8;
	[tilespmem:$0x8800] =	vst v63  }
0x8b: {  	_ =	swait.ge [sflag:s9], $0x4000  }
0x8c: {  	[sflag:s9] =	ssyncset.done $0x0  }
0x8d: {  	[sflag:s9] =	ssyncadd.s32 $0xFFFFC000  }
0x8e: {  	[hbm4b:s23+s2] =	stream.linear.scatter [tilespmem:s7], [sflag:$0x3], $0x4000, $0x38;
	[tilespmem:$0x8800] =	vst v63  }
0x8f: {  	_ =	swait.ge [sflag:s3], $0x4000  }
0x90: {  	[sflag:s3] =	ssyncset.done $0x0  }
0x91: {  	[sflag:s3] =	ssyncadd.s32 $0xFFFFC000  }
0x92: {  	[tilespmem:s7], [sflag:$0x1] =	stream.indirect.gather [hbm4b:s5+s6], $0x80, s24, s6, $0xb8;
	[tilespmem:$0x8800] =	vst v63  }
0x93: {  	_ =	swait.ge [sflag:s12], $0x4000  }
0x94: {  	[sflag:s12] =	ssyncset.done $0x0  }
0x95: {  	[sflag:s12] =	ssyncadd.s32 $0xFFFFC000  }
0x96: {  	[hbm4b:s25+s2] =	stream.linear.scatter [tilespmem:s8], [sflag:$0x3], $0x4000, $0x38;
	[tilespmem:$0x8800] =	vst v63  }
0x97: {  	_ =	swait.ge [sflag:s3], $0x4000  }
0x98: {  	[sflag:s3] =	ssyncset.done $0x0  }
0x99: {  	[sflag:s3] =	ssyncadd.s32 $0xFFFFC000  }
0x9a: {  	_ =	swait.ge [sflag:s9], $0x4000  }
.Ltmp1:
0x9b: {  	[sflag:s9] =	ssyncset.done $0x0;
	(pc) =	sbr.rel @p0 .LBB2_1-.Ltmp1, $4  }
0x9c: {  	[sflag:s9] =	ssyncadd.s32 $0xFFFFC000  }
0x9d: {  	[hbm4b:s26+s2] =	stream.linear.scatter [tilespmem:s7], [sflag:$0x3], $0x4000, $0x38;
	[tilespmem:$0x8800] =	vst v63  }
0x9e: {  	_ =	swait.ge [sflag:s3], $0x4000  }
0x9f: {  	[sflag:s3] =	ssyncset.done $0x0  }
.LBB2_2:
0xa0: {  	[sflag:s3] =	ssyncadd.s32 $0xFFFFC000  }
0xa1: {  	_ =	sfence.sel $0x180000  }
0xa2: {  	[bflag:$0x0] =	sbarrier.arrive $0xFFFF  }
0xa3: {  	p0 =	sne.s32 s0, $0x0;
	_ =	strace $0x9000004A  }
0xa4: {  	s0 =	sadd.s32 @!p0 $0x100000, s1;
	[bflag:$0x2] =	sbarrier.arrive $0xFFFF  }
0xa5: {  	[sflag:s0] =	ssyncadd.tile.s32 @!p0 $0x1;
	_ =	shalt  }
.Lfunc_end2:
_tile_overlayer_lowered:
.L_overlay_start_2:
0xa6: {  	(tag) =	ssettag $0x2  }
0xa7: {  	s0 =	rddreg [dreg:$0x0];
	s2 =	stileid.u32  }
0xa8: {  	s1 =	rddreg [dreg:$0x1];
	p0 =	sne.s32 s2, $0x0  }
0xa9: {  	s3 =	rddreg [dreg:$0x2];
	[bflag:$0x3] =	sbarrier.arrive $0xFFFF;
	s2 =	simm.s32 @!p0 $0x1C03  }
0xaa: {  	[timem:s3], [sflag:s2] =	dma.local @!p0 [hbm:s0], s1  }
0xab: {  	s0 =	simm.s32 @!p0 $0x3  }
0xac: {  	_ =	swait.ge @!p0 [sflag:s0], s1  }
0xad: {  	s1 =	ssub.s32 @!p0 $0x0, s1;
	[sflag:s0] =	ssyncset.done @!p0 $0x0  }
0xae: {  	[sflag:s0] =	ssyncadd.s32 @!p0 s1  }
0xaf: {  	[bflag:$0x3] =	sbarrier.arrive $0xFFFF  }
0xb0: {  	_ =	shalt  }

// kernel: kernel.7.cloned.1.call-start
scs
__scs_entry_jumppad:
0x0: {  	(pc) =	sbr.rel $0x88, $3  }
0x1: {  	(tag) =	ssettag $0x0;
	lr =	simm.s32 $0x1  }
0x2: {  	[smem:$0x3F9E] =	sst lr;
	_ =	strace $0xD0000000  }
0x3: {  	_ = 	snop  }
0x4: {  	_ = 	snop  }
0x5: {  	_ = 	snop  }
0x6: {  	_ = 	snop  }
0x7: {  	_ = 	snop  }
__scs_overlays_trampoline_lowered:
0x8: {  	[smem:$0x3FAD] =	sst s0  }
0x9: {  	[smem:$0x3FAE] =	sst s1  }
0xa: {  	[smem:$0x3FAF] =	sst s2  }
0xb: {  	[smem:$0x3FB0] =	sst s3  }
0xc: {  	[smem:$0x3FB1] =	sst s4  }
0xd: {  	[smem:$0x3FB2] =	sst s5  }
0xe: {  	[smem:$0x3FB3] =	sst s6  }
0xf: {  	[smem:$0x3FB4] =	sst s7  }
0x10: {  	[smem:$0x3FB5] =	sst s8  }
0x11: {  	[smem:$0x3FB6] =	sst s9;
	s0 =	simm.s32 @!p0 $0x0  }
0x12: {  	s1 =	sld [smem:$0x3F9C];
	s0 =	simm.s32 @p0 $0x1  }
0x13: {  	[smem:$0x3FB7] =	sst s0;
	s0 =	simm.s32 @!p1 $0x0  }
0x14: {  	s2 =	sld [smem:$0x3F9B];
	s0 =	simm.s32 @p1 $0x1  }
0x15: {  	[smem:$0x3FB8] =	sst s0;
	s0 =	simm.s32 @!p2 $0x0  }
0x16: {  	s3 =	sld [smem:$0x3FDB];
	s0 =	simm.s32 @p2 $0x1  }
0x17: {  	s4 =	simm.s32 $0x1BF5;
	[smem:$0x3FBA] =	sst s0  }
0x18: {  	s0 =	sld [smem:$0x3F9D];
	_ =	swait.ge [sflag:s4], $0x0  }
0x19: {  	s7 =	sld [smem:$0x3F9E]  }
0x1a: {  	s8 =	sadd.s32 $0xFFFFE003, lr  }
0x1b: {  	s9 =	sadd.s32 $0xFFFFFEF7, lr;
	s5 =	simm.s32 $0xFFFFFFFF;
	p2 =	slt.u32 s8, $0xFFFFF086  }
0x1c: {  	p1 =	slt.u32 s9, $0xF7A;
	s5 =	simm.s32 @!p2 $0x0  }
0x1d: {  	s5 =	simm.s32 @p1 $0x1;
	p0 =	seq.s32 s7, s2  }
0x1e: {  	s7 =	smul.u32 @!p0 $0xF7A, s2;
	p2 =	seq.s32 @!p0 s5, $0x0  }
0x1f: {  	s9 =	smul.u32 $0xF7A, s1;
	s8 =	simm.s32 @!p0 $0x1BF5;
	p2 =	por !p2, p0  }
0x20: {  	[sflag:s8] =	ssyncset.s32 @!p0 $0xFFFFF086;
	s6 =	sadd.s32 @!p0 s3, s7;
	s7 =	simm.s32 @!p0 $0x108  }
0x21: {  	s3 =	sadd.s32 s3, s9;
	s6 =	sadd.s32 @!p0 $0x88, s6;
	s7 =	simm.s32 @p2 $0x1082  }
0x22: {  	[simem:s7], [sflag:s8] =	dma.local @!p0 [hbm:s6], $0xF7A  }
0x23: {  	s9 =	sor.u32 $0xD0000000, s2;
	s6 =	simm.s32 $0x108;
	_ =	swait.ge @!p0 [sflag:s8], $0x0  }
0x24: {  	s3 =	sadd.s32 $0x88, s3;
	s6 =	simm.s32 @!p1 $0x1082;
	[sflag:s4] =	ssyncset.s32 $0xFFFFF086  }
0x25: {  	[simem:s6], [sflag:s4] =	dma.local [hbm:s3], $0xF7A  }
0x26: {  	[smem:$0x3F9E] =	sst s1;
	(tag) =	ssettag s2;
	_ =	strace s9  }
0x27: {  	s1 =	sld [smem:$0x3FAE]  }
0x28: {  	s2 =	sld [smem:$0x3FAF]  }
0x29: {  	s4 =	sld [smem:$0x3FB1]  }
0x2a: {  	p0 =	seq.s32 s5, $0x0;
	s5 =	sld [smem:$0x3FB2]  }
0x2b: {  	s6 =	sld [smem:$0x3FB3]  }
0x2c: {  	s7 =	sld [smem:$0x3FB4]  }
0x2d: {  	s3 =	simm.s32 $0x108;
	s8 =	sld [smem:$0x3FB5]  }
0x2e: {  	s3 =	simm.s32 @!p0 $0x1082;
	s9 =	sld [smem:$0x3FB6]  }
0x2f: {  	lr =	sadd.s32 s0, s3;
	s0 =	sld [smem:$0x3FAD]  }
0x30: {  	s3 =	sld [smem:$0x3FB0]  }
0x31: {  	[smem:$0x3FB9] =	sst s10  }
0x32: {  	s10 =	sld [smem:$0x3FB7];
	_ =	sdelay $0x3  }
0x33: {  	p0 =	seq.s32 s10, $0x1;
	s10 =	sld [smem:$0x3FB9];
	_ =	sdelay $0x3  }
0x34: {  	[smem:$0x3FB9] =	sst s10  }
0x35: {  	s10 =	sld [smem:$0x3FB8];
	_ =	sdelay $0x3  }
0x36: {  	p1 =	seq.s32 s10, $0x1;
	s10 =	sld [smem:$0x3FB9];
	_ =	sdelay $0x3  }
0x37: {  	[smem:$0x3FB9] =	sst s10  }
0x38: {  	s10 =	sld [smem:$0x3FBA]  }
0x39: {  	_ = 	snop;
	(pc) =	sbr.ind lr, $3  }
0x3a: {  	_ = 	snop  }
0x3b: {  	_ = 	snop  }
0x3c: {  	p2 =	seq.s32 s10, $0x1;
	s10 =	sld [smem:$0x3FB9]  }
0x3d: {  	_ =	shalt  }
0x3e: {  	_ =	shalt  }
0x3f: {  	_ =	shalt  }
0x40: {  	_ =	shalt  }
0x41: {  	_ =	shalt  }
0x42: {  	_ =	shalt  }
0x43: {  	_ =	shalt  }
0x44: {  	_ =	shalt  }
0x45: {  	_ =	shalt  }
0x46: {  	_ =	shalt  }
0x47: {  	_ =	shalt  }
0x48: {  	_ =	shalt  }
0x49: {  	_ =	shalt  }
0x4a: {  	_ =	shalt  }
0x4b: {  	_ =	shalt  }
0x4c: {  	_ =	shalt  }
0x4d: {  	_ =	shalt  }
0x4e: {  	_ =	shalt  }
0x4f: {  	_ =	shalt  }
0x50: {  	_ =	shalt  }
0x51: {  	_ =	shalt  }
0x52: {  	_ =	shalt  }
0x53: {  	_ =	shalt  }
0x54: {  	_ =	shalt  }
0x55: {  	_ =	shalt  }
0x56: {  	_ =	shalt  }
0x57: {  	_ =	shalt  }
0x58: {  	_ =	shalt  }
0x59: {  	_ =	shalt  }
0x5a: {  	_ =	shalt  }
0x5b: {  	_ =	shalt  }
0x5c: {  	_ =	shalt  }
0x5d: {  	_ =	shalt  }
0x5e: {  	_ =	shalt  }
0x5f: {  	_ =	shalt  }
0x60: {  	_ =	shalt  }
0x61: {  	_ =	shalt  }
0x62: {  	_ =	shalt  }
0x63: {  	_ =	shalt  }
0x64: {  	_ =	shalt  }
0x65: {  	_ =	shalt  }
0x66: {  	_ =	shalt  }
0x67: {  	_ =	shalt  }
0x68: {  	_ =	shalt  }
0x69: {  	_ =	shalt  }
0x6a: {  	_ =	shalt  }
0x6b: {  	_ =	shalt  }
0x6c: {  	_ =	shalt  }
0x6d: {  	_ =	shalt  }
0x6e: {  	_ =	shalt  }
0x6f: {  	_ =	shalt  }
0x70: {  	_ =	shalt  }
0x71: {  	_ =	shalt  }
0x72: {  	_ =	shalt  }
0x73: {  	_ =	shalt  }
0x74: {  	_ =	shalt  }
0x75: {  	_ =	shalt  }
0x76: {  	_ =	shalt  }
0x77: {  	_ =	shalt  }
0x78: {  	_ =	shalt  }
0x79: {  	_ =	shalt  }
0x7a: {  	_ =	shalt  }
0x7b: {  	_ =	shalt  }
0x7c: {  	_ =	shalt  }
0x7d: {  	_ =	shalt  }
0x7e: {  	_ =	shalt  }
0x7f: {  	_ =	shalt  }
0x80: {  	_ =	shalt  }
0x81: {  	_ =	shalt  }
0x82: {  	_ =	shalt  }
0x83: {  	_ =	shalt  }
0x84: {  	_ =	shalt  }
0x85: {  	_ =	shalt  }
0x86: {  	_ =	shalt  }
0x87: {  	_ =	shalt  }
.Lfunc_end0:
.L_simem_size_0:
called_computation_lowered:
.L_overlay_start_0:
0x88: {  	s2 =	sld [smem:$0x3FD9]  }
0x89: {  	s3 =	sld [smem:$0x3FFE];
	_ =	sdelay $0x1  }
0x8a: {  	s1 =	srdreg.scid  }
0x8b: {  	s0 =	sand.u32 $0x1, s1  }
0x8c: {  	s14 =	sshll.u32 s0, $0xA;
	s2 =	sadd.s32 s3, s2  }
0x8d: {  	s2 =	sadd.s32 s2, s14  }
0x8e: {  	[smem:$0x3FC5] =	sst s2  }
0x8f: {  	_ = 	snop  }
0x90: {  	s2 =	sld [smem:$0x3FD0];
	_ =	sdelay $0x2  }
0x91: {  	s15 =	simm.s32 $0xA;
	s4 =	simm.s32 $0x10  }
0x92: {  	[smem:s4], [sflag:s15] =	dma.local [hbm:s2], $0x1  }
0x93: {  	_ =	swait.eq [sflag:s15], $0x1  }
0x94: {  	[sflag:s15] =	ssyncset.done $0x0  }
0x95: {  	[sflag:s15] =	ssyncadd.s32 $0xFFFFFFFF  }
0x96: {  	s16 =	sld [smem:$0x11];
	(tm) =	ssettm $0x1  }
0x97: {  	s17 =	sld [smem:$0x3FFB];
	_ =	sdelay $0x3  }
0x98: {  	_ =	strace s17  }
0x99: {  	s3 =	sld [smem:$0x3FFC];
	_ =	sdelay $0x3  }
0x9a: {  	_ =	strace s3  }
0x9b: {  	s3 =	sld [smem:$0x3FFD];
	_ =	sdelay $0x3  }
0x9c: {  	_ =	strace s3  }
0x9d: {  	_ =	strace $0x8FFFFFFF  }
0x9e: {  	s18 =	sld [smem:$0x3FDB];
	_ =	sdelay $0x1  }
0x9f: {  	s19 =	simm.s32 $_scs_section_size  }
0xa0: {  	s5 =	simm.s32 $_size__tile_overlayer_lowered;
	s6 =	simm.s32 $_tile_overlayer_lowered  }
0xa1: {  	s22 =	simm.s32 $0x1BFF;
	s21 =	sshll.u32 s6, $0x1;
	s3 =	sadd.s32 s19, s18  }
0xa2: {  	s7 =	simm.s32 $0x0;
	s20 =	sshll.u32 s5, $0x1;
	s5 =	sadd.s32 s21, s3  }
0xa3: {  	[timem:s7], [sflag:s22] =	dma.local [hbm:s5], s20  }
0xa4: {  	_ =	swait.ge [sflag:s22], s20  }
0xa5: {  	s4 =	ssub.s32 $0x0, s20;
	[sflag:s22] =	ssyncset.done $0x0  }
0xa6: {  	[sflag:s22] =	ssyncadd.s32 s4;
	_ =	sdelay $0x1  }
0xa7: {  	s23 =	simm.s32 $0x1B8B  }
0xa8: {  	_ =	swait.ge [sflag:s23], $0x1  }
0xa9: {  	[sflag:s23] =	ssyncset.done $0x0  }
0xaa: {  	s25 =	simm.s32 $0x1B8E;
	s24 =	sld [smem:$0x3FFE];
	[sflag:s23] =	ssyncadd.s32 $0xFFFFFFFF  }
0xab: {  	s26 =	simm.s32 $execute0_lowered;
	[smem:$0x3FD2] =	sst s25  }
0xac: {  	s5 =	sshll.u32 s26, $0x1;
	_ =	strace $0x80000046;
	[dreg:$0x1] =	wrdreg $0xFFFFFFFF  }
0xad: {  	s28 =	simm.s32 $_size_execute0_lowered;
	s3 =	sadd.s32 s3, s5;
	[dreg:$0x0] =	wrdreg $0x0  }
0xae: {  	s5 =	sshll.u32 s28, $0x1;
	[dreg:$0x2] =	wrdreg s3  }
0xaf: {  	[dreg:$0x3] =	wrdreg s5  }
0xb0: {  	[dreg:$0x4] =	wrdreg $0xC0  }
0xb1: {  	_ =	task [dreg:s7], $0x5FFFF  }
0xb2: {  	[dreg:$0x1] =	wrdreg $0xFFFFFFFF  }
0xb3: {  	[dreg:$0x0] =	wrdreg $0x60  }
0xb4: {  	[dreg:$0x2] =	wrdreg s16  }
0xb5: {  	[dreg:$0x3] =	wrdreg s24  }
0xb6: {  	[dreg:$0x4] =	wrdreg $0x9  }
0xb7: {  	_ =	task.clear_ibuf [dreg:s7], $0x5FFFF;
	_ =	strace $0x90000046  }
0xb8: {  	s29 =	simm.s32 $0x9;
	_ =	strace $0x80000048  }
0xb9: {  	_ =	swait.ge [sflag:s29], $0x1  }
0xba: {  	[sflag:s29] =	ssyncadd.s32 $0xFFFFFFFF  }
0xbb: {  	_ =	strace $0x90000048  }
0xbc: {  	_ =	sfence  }
0xbd: {  	s30 =	sld [smem:$0x0];
	_ =	sdelay $0x2  }
0xbe: {  	s31 =	sshll.u32 s1, $0xD;
	s1 =	sshrl.u32 s1, $0x2  }
0xbf: {  	s3 =	sand.u32 $0x4000, s31;
	s1 =	sadd.s32 s1, s30  }
0xc0: {  	s0 =	sor.u32 s3, s0;
	s1 =	sshll.u32 s1, $0x11  }
0xc1: {  	s0 =	sor.u32 s1, s0  }
0xc2: {  	s0 =	sadd.s32 $0x8F2B, s0  }
0xc3: {  	[sflag:s0] =	ssyncadd.remote.s32 $0x1  }
0xc4: {  	_ =	sfence.sel $0xFFFF  }
0xc5: {  	[dreg:$0x0] =	wrdreg $0xFFFFFFFF;
	(pc) =	sbr.abs _section_cstart, $3  }
0xc6: {  	[dreg:$0x1] =	wrdreg $0xFFFFFFFF  }
0xc7: {  	_ =	task.clear_ibuf [dreg:s7], $0x2FFFF;
	_ =	strace $0x9FFFFFFF  }
0xc8: {  	(tm) =	ssettm $0x7FFFFFFF  }
0xc9: {  	_ =	shalt  }
tec
execute0_lowered:
.L_overlay_start_1:
0x0: {  	(tag) =	ssettag $0x1  }
0x1: {  	s1 =	srdreg.scid;
	s0 =	stileid.u32  }
0x2: {  	s2 =	rddreg [dreg:$0x0];
	s26 =	sand.u32 $0x1, s1;
	s31 =	sshll.u32 s0, $0x1  }
0x3: {  	s10 =	rddreg [dreg:$0x1];
	s11 =	sor.u32 s26, s31  }
0x4: {  	s3 =	simm.s32 $0x0;
	s1 =	rddreg [dreg:$0x2];
	s4 =	sshll.u32 s11, $0x8  }
0x5: {  	[smem:$0x7FF] =	sst s3;
	s4 =	sadd.s32 s4, s10  }
0x6: {  	_ =	strace $0x80000047;
	s5 =	sadd.s32 $0x91200, s4;
	s4 =	simm.s32 $0x3  }
0x7: {  	[tilespmem:s3], [sflag:$0x3] =	stream.linear.gather [hbm4b:s5+s3], $0x480, $0x38;
	[tilespmem:$0x8800] =	vst v63  }
0x8: {  	_ =	swait.ge [sflag:s4], $0x480  }
0x9: {  	[sflag:s4] =	ssyncset.done $0x0  }
0xa: {  	s6 =	simm.s32 $0x80;
	s7 =	simm.s32 $0x800;
	[sflag:s4] =	ssyncadd.s32 $0xFFFFFB80  }
0xb: {  	[tilespmem:s7], [sflag:$0x1] =	stream.indirect.gather [hbm4b:s2+s6], $0x80, s3, s6, $0xb8;
	[tilespmem:$0x8800] =	vst v63  }
0xc: {  	s8 =	simm.s32 $0x4800;
	s9 =	simm.s32 $0x1  }
0xd: {  	[tilespmem:s8], [sflag:$0x2] =	stream.indirect.gather [hbm4b:s2+s6], $0x80, s6, s6, $0xb8;
	[tilespmem:$0x8800] =	vst v63  }
0xe: {  	s12 =	smul.u32 $0x4800, s11;
	_ =	swait.ge [sflag:s9], $0x4000  }
0xf: {  	s13 =	sadd.s32 $0x93200, s10;
	[sflag:s9] =	ssyncset.done $0x0  }
0x10: {  	s10 =	sadd.s32 s13, s12;
	[sflag:s9] =	ssyncadd.s32 $0xFFFFC000  }
0x11: {  	[hbm4b:s10+s3] =	stream.linear.scatter [tilespmem:s7], [sflag:$0x3], $0x4000, $0x38;
	[tilespmem:$0x8800] =	vst v63  }
0x12: {  	_ =	swait.ge [sflag:s4], $0x4000  }
0x13: {  	s14 =	smul.u32 $0x24000, s11;
	[sflag:s4] =	ssyncset.done $0x0  }
0x14: {  	s11 =	simm.s32 $0x100;
	s12 =	simm.s32 $0x2;
	[sflag:s4] =	ssyncadd.s32 $0xFFFFC000  }
0x15: {  	[tilespmem:s7], [sflag:$0x1] =	stream.indirect.gather [hbm4b:s2+s6], $0x80, s11, s6, $0xb8;
	[tilespmem:$0x8800] =	vst v63  }
0x16: {  	s14 =	sshrl.u32 s14, $0x3;
	_ =	swait.ge [sflag:s12], $0x4000  }
0x17: {  	s28 =	sadd.s32 s13, s14;
	[sflag:s12] =	ssyncset.done $0x0  }
0x18: {  	s13 =	sadd.s32 $0x800, s28;
	[sflag:s12] =	ssyncadd.s32 $0xFFFFC000  }
0x19: {  	[hbm4b:s13+s3] =	stream.linear.scatter [tilespmem:s8], [sflag:$0x3], $0x4000, $0x38;
	[tilespmem:$0x8800] =	vst v63  }
0x1a: {  	_ =	swait.ge [sflag:s4], $0x4000  }
0x1b: {  	[sflag:s4] =	ssyncset.done $0x0  }
0x1c: {  	s14 =	simm.s32 $0x180;
	[sflag:s4] =	ssyncadd.s32 $0xFFFFC000  }
0x1d: {  	[tilespmem:s8], [sflag:$0x2] =	stream.indirect.gather [hbm4b:s2+s6], $0x80, s14, s6, $0xb8;
	[tilespmem:$0x8800] =	vst v63  }
0x1e: {  	_ =	swait.ge [sflag:s9], $0x4000  }
0x1f: {  	[sflag:s9] =	ssyncset.done $0x0  }
0x20: {  	s15 =	sadd.s32 $0x1000, s28;
	[sflag:s9] =	ssyncadd.s32 $0xFFFFC000  }
0x21: {  	[hbm4b:s15+s3] =	stream.linear.scatter [tilespmem:s7], [sflag:$0x3], $0x4000, $0x38;
	[tilespmem:$0x8800] =	vst v63  }
0x22: {  	_ =	swait.ge [sflag:s4], $0x4000  }
0x23: {  	[sflag:s4] =	ssyncset.done $0x0  }
0x24: {  	s16 =	simm.s32 $0x200;
	[sflag:s4] =	ssyncadd.s32 $0xFFFFC000  }
0x25: {  	[tilespmem:s7], [sflag:$0x1] =	stream.indirect.gather [hbm4b:s2+s6], $0x80, s16, s6, $0xb8;
	[tilespmem:$0x8800] =	vst v63  }
0x26: {  	_ =	swait.ge [sflag:s12], $0x4000  }
0x27: {  	[sflag:s12] =	ssyncset.done $0x0  }
0x28: {  	s17 =	sadd.s32 $0x1800, s28;
	[sflag:s12] =	ssyncadd.s32 $0xFFFFC000  }
0x29: {  	[hbm4b:s17+s3] =	stream.linear.scatter [tilespmem:s8], [sflag:$0x3], $0x4000, $0x38;
	[tilespmem:$0x8800] =	vst v63  }
0x2a: {  	_ =	swait.ge [sflag:s4], $0x4000  }
0x2b: {  	[sflag:s4] =	ssyncset.done $0x0  }
0x2c: {  	s18 =	simm.s32 $0x280;
	[sflag:s4] =	ssyncadd.s32 $0xFFFFC000  }
0x2d: {  	[tilespmem:s8], [sflag:$0x2] =	stream.indirect.gather [hbm4b:s2+s6], $0x80, s18, s6, $0xb8;
	[tilespmem:$0x8800] =	vst v63  }
0x2e: {  	_ =	swait.ge [sflag:s9], $0x4000  }
0x2f: {  	[sflag:s9] =	ssyncset.done $0x0  }
0x30: {  	s19 =	sadd.s32 $0x2000, s28;
	[sflag:s9] =	ssyncadd.s32 $0xFFFFC000  }
0x31: {  	[hbm4b:s19+s3] =	stream.linear.scatter [tilespmem:s7], [sflag:$0x3], $0x4000, $0x38;
	[tilespmem:$0x8800] =	vst v63  }
0x32: {  	_ =	swait.ge [sflag:s4], $0x4000  }
0x33: {  	[sflag:s4] =	ssyncset.done $0x0  }
0x34: {  	s20 =	simm.s32 $0x300;
	[sflag:s4] =	ssyncadd.s32 $0xFFFFC000  }
0x35: {  	[tilespmem:s7], [sflag:$0x1] =	stream.indirect.gather [hbm4b:s2+s6], $0x80, s20, s6, $0xb8;
	[tilespmem:$0x8800] =	vst v63  }
0x36: {  	_ =	swait.ge [sflag:s12], $0x4000  }
0x37: {  	[sflag:s12] =	ssyncset.done $0x0  }
0x38: {  	s21 =	sadd.s32 $0x2800, s28;
	[sflag:s12] =	ssyncadd.s32 $0xFFFFC000  }
0x39: {  	[hbm4b:s21+s3] =	stream.linear.scatter [tilespmem:s8], [sflag:$0x3], $0x4000, $0x38;
	[tilespmem:$0x8800] =	vst v63  }
0x3a: {  	_ =	swait.ge [sflag:s4], $0x4000  }
0x3b: {  	[sflag:s4] =	ssyncset.done $0x0  }
0x3c: {  	s22 =	simm.s32 $0x380;
	[sflag:s4] =	ssyncadd.s32 $0xFFFFC000  }
0x3d: {  	[tilespmem:s8], [sflag:$0x2] =	stream.indirect.gather [hbm4b:s2+s6], $0x80, s22, s6, $0xb8;
	[tilespmem:$0x8800] =	vst v63  }
0x3e: {  	_ =	swait.ge [sflag:s9], $0x4000  }
0x3f: {  	[sflag:s9] =	ssyncset.done $0x0  }
0x40: {  	s23 =	sadd.s32 $0x3000, s28;
	[sflag:s9] =	ssyncadd.s32 $0xFFFFC000  }
0x41: {  	[hbm4b:s23+s3] =	stream.linear.scatter [tilespmem:s7], [sflag:$0x3], $0x4000, $0x38;
	[tilespmem:$0x8800] =	vst v63  }
0x42: {  	_ =	swait.ge [sflag:s4], $0x4000  }
0x43: {  	[sflag:s4] =	ssyncset.done $0x0  }
0x44: {  	s24 =	simm.s32 $0x400;
	[sflag:s4] =	ssyncadd.s32 $0xFFFFC000  }
0x45: {  	[tilespmem:s7], [sflag:$0x1] =	stream.indirect.gather [hbm4b:s2+s6], $0x80, s24, s6, $0xb8;
	[tilespmem:$0x8800] =	vst v63  }
0x46: {  	_ =	swait.ge [sflag:s12], $0x4000  }
0x47: {  	[sflag:s12] =	ssyncset.done $0x0  }
0x48: {  	s26 =	ssub.s32 $0x2, s26;
	s25 =	sadd.s32 $0x3800, s28;
	[sflag:s12] =	ssyncadd.s32 $0xFFFFC000  }
0x49: {  	[hbm4b:s25+s3] =	stream.linear.scatter [tilespmem:s8], [sflag:$0x3], $0x4000, $0x38;
	[tilespmem:$0x8800] =	vst v63  }
0x4a: {  	s29 =	sshrl.u32 s26, $0x1;
	_ =	swait.ge [sflag:s4], $0x4000  }
0x4b: {  	s29 =	ssub.s32 s26, s29;
	[sflag:s4] =	ssyncset.done $0x0  }
0x4c: {  	s26 =	sadd.s32 $0x4000, s28;
	s28 =	smax.u32 s29, $0x1;
	[sflag:s4] =	ssyncadd.s32 $0xFFFFC000  }
0x4d: {  	p0 =	sne.s32 s28, $0x1;
	_ =	swait.ge [sflag:s9], $0x4000  }
.Ltmp0:
0x4e: {  	[sflag:s9] =	ssyncset.done $0x0;
	(pc) =	sbr.rel @!p0 .LBB2_2-.Ltmp0, $4  }
0x4f: {  	[sflag:s9] =	ssyncadd.s32 $0xFFFFC000  }
0x50: {  	[hbm4b:s26+s3] =	stream.linear.scatter [tilespmem:s7], [sflag:$0x3], $0x4000, $0x38;
	[tilespmem:$0x8800] =	vst v63  }
0x51: {  	_ =	swait.ge [sflag:s4], $0x4000  }
0x52: {  	s28 =	sadd.s32 $0xFFFFFFFF, s28;
	[sflag:s4] =	ssyncset.done $0x0  }
.LBB2_1:
0x53: {  	p0 =	sne.s32 s28, $0x1;
	s28 =	sadd.s32 $0xFFFFFFFF, s28;
	[sflag:s4] =	ssyncadd.s32 $0xFFFFC000  }
0x54: {  	[tilespmem:s3], [sflag:$0x3] =	stream.linear.gather [hbm4b:s5+s3], $0x480, $0x38;
	[tilespmem:$0x8800] =	vst v63  }
0x55: {  	_ =	swait.ge [sflag:s4], $0x480  }
0x56: {  	[sflag:s4] =	ssyncset.done $0x0  }
0x57: {  	[sflag:s4] =	ssyncadd.s32 $0xFFFFFB80  }
0x58: {  	[tilespmem:s7], [sflag:$0x1] =	stream.indirect.gather [hbm4b:s2+s6], $0x80, s3, s6, $0xb8;
	[tilespmem:$0x8800] =	vst v63  }
0x59: {  	_ = 	snop  }
0x5a: {  	[tilespmem:s8], [sflag:$0x2] =	stream.indirect.gather [hbm4b:s2+s6], $0x80, s6, s6, $0xb8;
	[tilespmem:$0x8800] =	vst v63  }
0x5b: {  	_ =	swait.ge [sflag:s9], $0x4000  }
0x5c: {  	[sflag:s9] =	ssyncset.done $0x0  }
0x5d: {  	[sflag:s9] =	ssyncadd.s32 $0xFFFFC000  }
0x5e: {  	[hbm4b:s10+s3] =	stream.linear.scatter [tilespmem:s7], [sflag:$0x3], $0x4000, $0x38;
	[tilespmem:$0x8800] =	vst v63  }
0x5f: {  	_ =	swait.ge [sflag:s4], $0x4000  }
0x60: {  	[sflag:s4] =	ssyncset.done $0x0  }
0x61: {  	[sflag:s4] =	ssyncadd.s32 $0xFFFFC000  }
0x62: {  	[tilespmem:s7], [sflag:$0x1] =	stream.indirect.gather [hbm4b:s2+s6], $0x80, s11, s6, $0xb8;
	[tilespmem:$0x8800] =	vst v63  }
0x63: {  	_ =	swait.ge [sflag:s12], $0x4000  }
0x64: {  	[sflag:s12] =	ssyncset.done $0x0  }
0x65: {  	[sflag:s12] =	ssyncadd.s32 $0xFFFFC000  }
0x66: {  	[hbm4b:s13+s3] =	stream.linear.scatter [tilespmem:s8], [sflag:$0x3], $0x4000, $0x38;
	[tilespmem:$0x8800] =	vst v63  }
0x67: {  	_ =	swait.ge [sflag:s4], $0x4000  }
0x68: {  	[sflag:s4] =	ssyncset.done $0x0  }
0x69: {  	[sflag:s4] =	ssyncadd.s32 $0xFFFFC000  }
0x6a: {  	[tilespmem:s8], [sflag:$0x2] =	stream.indirect.gather [hbm4b:s2+s6], $0x80, s14, s6, $0xb8;
	[tilespmem:$0x8800] =	vst v63  }
0x6b: {  	_ =	swait.ge [sflag:s9], $0x4000  }
0x6c: {  	[sflag:s9] =	ssyncset.done $0x0  }
0x6d: {  	[sflag:s9] =	ssyncadd.s32 $0xFFFFC000  }
0x6e: {  	[hbm4b:s15+s3] =	stream.linear.scatter [tilespmem:s7], [sflag:$0x3], $0x4000, $0x38;
	[tilespmem:$0x8800] =	vst v63  }
0x6f: {  	_ =	swait.ge [sflag:s4], $0x4000  }
0x70: {  	[sflag:s4] =	ssyncset.done $0x0  }
0x71: {  	[sflag:s4] =	ssyncadd.s32 $0xFFFFC000  }
0x72: {  	[tilespmem:s7], [sflag:$0x1] =	stream.indirect.gather [hbm4b:s2+s6], $0x80, s16, s6, $0xb8;
	[tilespmem:$0x8800] =	vst v63  }
0x73: {  	_ =	swait.ge [sflag:s12], $0x4000  }
0x74: {  	[sflag:s12] =	ssyncset.done $0x0  }
0x75: {  	[sflag:s12] =	ssyncadd.s32 $0xFFFFC000  }
0x76: {  	[hbm4b:s17+s3] =	stream.linear.scatter [tilespmem:s8], [sflag:$0x3], $0x4000, $0x38;
	[tilespmem:$0x8800] =	vst v63  }
0x77: {  	_ =	swait.ge [sflag:s4], $0x4000  }
0x78: {  	[sflag:s4] =	ssyncset.done $0x0  }
0x79: {  	[sflag:s4] =	ssyncadd.s32 $0xFFFFC000  }
0x7a: {  	[tilespmem:s8], [sflag:$0x2] =	stream.indirect.gather [hbm4b:s2+s6], $0x80, s18, s6, $0xb8;
	[tilespmem:$0x8800] =	vst v63  }
0x7b: {  	_ =	swait.ge [sflag:s9], $0x4000  }
0x7c: {  	[sflag:s9] =	ssyncset.done $0x0  }
0x7d: {  	[sflag:s9] =	ssyncadd.s32 $0xFFFFC000  }
0x7e: {  	[hbm4b:s19+s3] =	stream.linear.scatter [tilespmem:s7], [sflag:$0x3], $0x4000, $0x38;
	[tilespmem:$0x8800] =	vst v63  }
0x7f: {  	_ =	swait.ge [sflag:s4], $0x4000  }
0x80: {  	[sflag:s4] =	ssyncset.done $0x0  }
0x81: {  	[sflag:s4] =	ssyncadd.s32 $0xFFFFC000  }
0x82: {  	[tilespmem:s7], [sflag:$0x1] =	stream.indirect.gather [hbm4b:s2+s6], $0x80, s20, s6, $0xb8;
	[tilespmem:$0x8800] =	vst v63  }
0x83: {  	_ =	swait.ge [sflag:s12], $0x4000  }
0x84: {  	[sflag:s12] =	ssyncset.done $0x0  }
0x85: {  	[sflag:s12] =	ssyncadd.s32 $0xFFFFC000  }
0x86: {  	[hbm4b:s21+s3] =	stream.linear.scatter [tilespmem:s8], [sflag:$0x3], $0x4000, $0x38;
	[tilespmem:$0x8800] =	vst v63  }
0x87: {  	_ =	swait.ge [sflag:s4], $0x4000  }
0x88: {  	[sflag:s4] =	ssyncset.done $0x0  }
0x89: {  	[sflag:s4] =	ssyncadd.s32 $0xFFFFC000  }
0x8a: {  	[tilespmem:s8], [sflag:$0x2] =	stream.indirect.gather [hbm4b:s2+s6], $0x80, s22, s6, $0xb8;
	[tilespmem:$0x8800] =	vst v63  }
0x8b: {  	_ =	swait.ge [sflag:s9], $0x4000  }
0x8c: {  	[sflag:s9] =	ssyncset.done $0x0  }
0x8d: {  	[sflag:s9] =	ssyncadd.s32 $0xFFFFC000  }
0x8e: {  	[hbm4b:s23+s3] =	stream.linear.scatter [tilespmem:s7], [sflag:$0x3], $0x4000, $0x38;
	[tilespmem:$0x8800] =	vst v63  }
0x8f: {  	_ =	swait.ge [sflag:s4], $0x4000  }
0x90: {  	[sflag:s4] =	ssyncset.done $0x0  }
0x91: {  	[sflag:s4] =	ssyncadd.s32 $0xFFFFC000  }
0x92: {  	[tilespmem:s7], [sflag:$0x1] =	stream.indirect.gather [hbm4b:s2+s6], $0x80, s24, s6, $0xb8;
	[tilespmem:$0x8800] =	vst v63  }
0x93: {  	_ =	swait.ge [sflag:s12], $0x4000  }
0x94: {  	[sflag:s12] =	ssyncset.done $0x0  }
0x95: {  	[sflag:s12] =	ssyncadd.s32 $0xFFFFC000  }
0x96: {  	[hbm4b:s25+s3] =	stream.linear.scatter [tilespmem:s8], [sflag:$0x3], $0x4000, $0x38;
	[tilespmem:$0x8800] =	vst v63  }
0x97: {  	_ =	swait.ge [sflag:s4], $0x4000  }
0x98: {  	[sflag:s4] =	ssyncset.done $0x0  }
0x99: {  	[sflag:s4] =	ssyncadd.s32 $0xFFFFC000  }
0x9a: {  	_ =	swait.ge [sflag:s9], $0x4000  }
.Ltmp1:
0x9b: {  	[sflag:s9] =	ssyncset.done $0x0;
	(pc) =	sbr.rel @p0 .LBB2_1-.Ltmp1, $4  }
0x9c: {  	[sflag:s9] =	ssyncadd.s32 $0xFFFFC000  }
0x9d: {  	[hbm4b:s26+s3] =	stream.linear.scatter [tilespmem:s7], [sflag:$0x3], $0x4000, $0x38;
	[tilespmem:$0x8800] =	vst v63  }
0x9e: {  	_ =	swait.ge [sflag:s4], $0x4000  }
0x9f: {  	[sflag:s4] =	ssyncset.done $0x0  }
.LBB2_2:
0xa0: {  	[sflag:s4] =	ssyncadd.s32 $0xFFFFC000  }
0xa1: {  	_ =	sfence.sel $0x180000  }
0xa2: {  	[bflag:$0x0] =	sbarrier.arrive $0xFFFF  }
0xa3: {  	p0 =	sne.s32 s0, $0x0;
	_ =	strace $0x90000047  }
0xa4: {  	s0 =	sadd.s32 @!p0 $0x100000, s1;
	[bflag:$0x2] =	sbarrier.arrive $0xFFFF  }
0xa5: {  	[sflag:s0] =	ssyncadd.tile.s32 @!p0 $0x1;
	_ =	shalt  }
.Lfunc_end2:
_tile_overlayer_lowered:
.L_overlay_start_2:
0xa6: {  	(tag) =	ssettag $0x2  }
0xa7: {  	s0 =	rddreg [dreg:$0x0];
	s2 =	stileid.u32  }
0xa8: {  	s1 =	rddreg [dreg:$0x1];
	p0 =	sne.s32 s2, $0x0  }
0xa9: {  	s3 =	rddreg [dreg:$0x2];
	[bflag:$0x3] =	sbarrier.arrive $0xFFFF;
	s2 =	simm.s32 @!p0 $0x1C03  }
0xaa: {  	[timem:s3], [sflag:s2] =	dma.local @!p0 [hbm:s0], s1  }
0xab: {  	s0 =	simm.s32 @!p0 $0x3  }
0xac: {  	_ =	swait.ge @!p0 [sflag:s0], s1  }
0xad: {  	s1 =	ssub.s32 @!p0 $0x0, s1;
	[sflag:s0] =	ssyncset.done @!p0 $0x0  }
0xae: {  	[sflag:s0] =	ssyncadd.s32 @!p0 s1  }
0xaf: {  	[bflag:$0x3] =	sbarrier.arrive $0xFFFF  }
0xb0: {  	_ =	shalt  }

</sc_bundles>
